<compile_context>
chip_gen: v7x
topology: tpu7x:2x2x1
jax: 0.10.2.dev20260603
libtpu: 0.0.44.dev20260713+nightly
codegen_flags: <defaults>
</compile_context>

<pallas_src>
import functools

import jax
import jax.numpy as jnp
from jax import lax
from jax.experimental import pallas as pl
from jax.experimental.pallas import tpu as pltpu
from jax.experimental.pallas import tpu_sc as plsc

B = 4096
L = 200
D = 32
N = B * L
NUM_WORKERS = 32
ROWS_PER_WORKER = N // NUM_WORKERS
GATHER_ROWS = 128
K = 10
CHUNK = GATHER_ROWS * K
NUM_CHUNKS = ROWS_PER_WORKER // CHUNK
NUM_STEPS = NUM_CHUNKS // 2


def _sc_body(idx_hbm, table_hbm, out_hbm, idx_v, rows0, rows1, gsem0, gsem1,
             ssem0, ssem1):
    wid = lax.axis_index("s") * 2 + lax.axis_index("c")
    base = pl.multiple_of(wid * ROWS_PER_WORKER, CHUNK)
    idx_row0 = pl.multiple_of(base // GATHER_ROWS, 8)

    pltpu.sync_copy(idx_hbm.at[pl.ds(idx_row0, ROWS_PER_WORKER // GATHER_ROWS)],
                    idx_v)

    def fire(c, buf, gsem):
        for j in range(K):
            pltpu.async_copy(
                table_hbm.at[idx_v.at[c * K + j]],
                buf.at[pl.ds(j * GATHER_ROWS, GATHER_ROWS)],
                gsem,
            )

    def drain_gathers(buf, gsem):
        pltpu.make_async_copy(table_hbm.at[pl.ds(0, CHUNK)], buf, gsem).wait()

    def store(c, buf, ssem):
        row0 = pl.multiple_of(base + c * CHUNK, CHUNK)
        pltpu.async_copy(buf, out_hbm.at[pl.ds(row0, CHUNK)], ssem)

    def wait_store(buf, ssem):
        pltpu.make_async_copy(buf, out_hbm.at[pl.ds(base, CHUNK)], ssem).wait()

    fire(0, rows0, gsem0)

    def step(i, carry):
        c0 = pl.multiple_of(2 * i, 2)

        @pl.when(i > 0)
        def _():
            wait_store(rows1, ssem1)
        fire(c0 + 1, rows1, gsem1)
        drain_gathers(rows0, gsem0)
        store(c0, rows0, ssem0)

        @pl.when(i < NUM_STEPS - 1)
        def _():
            wait_store(rows0, ssem0)
            fire(c0 + 2, rows0, gsem0)
        drain_gathers(rows1, gsem1)
        store(c0 + 1, rows1, ssem1)
        return carry

    lax.fori_loop(0, NUM_STEPS, step, 0)
    wait_store(rows0, ssem0)
    wait_store(rows1, ssem1)

    @pl.when(wid == 0)
    def _():
        zero = jnp.zeros((16,), jnp.float32)

        def zrow(i, carry):
            rows0[i, pl.ds(0, 16)] = zero
            rows0[i, pl.ds(16, 16)] = zero
            return carry

        lax.fori_loop(0, L, zrow, 0)
        pltpu.sync_copy(rows0.at[pl.ds(0, L)], out_hbm.at[pl.ds(0, L)])


@jax.jit
def _sc_gather(idx_rows, table):
    mesh = plsc.VectorSubcoreMesh(core_axis_name="c", subcore_axis_name="s")
    run = functools.partial(
        pl.kernel,
        mesh=mesh,
        out_type=jax.ShapeDtypeStruct((N, D), jnp.float32),
        scratch_types=[
            pltpu.VMEM((ROWS_PER_WORKER // GATHER_ROWS, GATHER_ROWS), jnp.int32),
            pltpu.VMEM((CHUNK, D), jnp.float32),
            pltpu.VMEM((CHUNK, D), jnp.float32),
            pltpu.SemaphoreType.DMA,
            pltpu.SemaphoreType.DMA,
            pltpu.SemaphoreType.DMA,
            pltpu.SemaphoreType.DMA,
        ],
        compiler_params=pltpu.CompilerParams(use_tc_tiling_on_sc=False),
    )(_sc_body)
    return run(idx_rows, table)


def kernel(y, table):
    yf = y.reshape(-1).astype(jnp.int32)
    idx = jnp.concatenate([jnp.zeros((L,), jnp.int32), yf[:-L]])
    idx_rows = idx.reshape(N // GATHER_ROWS, GATHER_ROWS)
    out = _sc_gather(idx_rows, table)
    return out.reshape(B, L, D)

# --- scband reference (transcript-rebuilt; emitter-appended) ---
"""Pipeline reference for scband-my-tap-embedding-18554258719420 (READ-ONLY COPY).

The authoritative reference and input builder live on the scoring server;
editing this copy changes nothing except your own understanding.
"""

import jax, jax.numpy as jnp
import numpy as np

NUM_TARGET = 1000000
WORD_DIM = 32


def setup_inputs(seed: int = 0) -> dict:
    key = jax.random.key(seed)
    k1, k2 = jax.random.split(key)
    y = jax.random.randint(k1, (4096, 200), 0, NUM_TARGET, dtype=jnp.int64)
    table = jax.random.normal(k2, (NUM_TARGET, WORD_DIM), dtype=jnp.float32) * 0.02
    return {"y": y, "table": table}


def reference(y, table):
    # y.sum() >= 0 always holds for indices drawn from [0, NUM_TARGET),
    # so we take the embedding-lookup branch of the original forward.
    emb = jnp.take(table, y, axis=0)  # [B, L, D] -> ndim == 3 branch
    # shifted copy along the leading axis: emb_shifted[1:] = emb[:-1]
    emb_shifted = jnp.zeros_like(emb).at[1:].set(emb[:-1])
    return emb_shifted

if __name__ == "__main__":
    import jax
    _d = setup_inputs()
    print(jax.jit(kernel)(*tuple(_d.values())))

</pallas_src>

<mosaic_0001>
#map = affine_map<(d0, d1) -> (0, 0)>
module attributes {stable_mosaic.version = 14 : i64} {
  func.func @_sc_body(%arg0: i32, %arg1: i32, %arg2: memref<6400x128xi32, #tpu.memory_space<hbm>>, %arg3: memref<1000000x32xf32, #tpu.memory_space<hbm>>, %arg4: memref<819200x32xf32, #tpu.memory_space<hbm>>, %arg5: memref<200x128xi32, #tpu.memory_space<vmem>>, %arg6: memref<1280x32xf32, #tpu.memory_space<vmem>>, %arg7: memref<1280x32xf32, #tpu.memory_space<vmem>>, %arg8: memref<!tpu.dma_semaphore, #tpu.memory_space<semaphore_mem>>, %arg9: memref<!tpu.dma_semaphore, #tpu.memory_space<semaphore_mem>>, %arg10: memref<!tpu.dma_semaphore, #tpu.memory_space<semaphore_mem>>, %arg11: memref<!tpu.dma_semaphore, #tpu.memory_space<semaphore_mem>>) attributes {dimension_semantics = [#tpu.dimension_semantics<core_parallel>, #tpu.dimension_semantics<subcore_parallel>], iteration_bounds = array<i64: 2, 16>, scalar_prefetch = 0 : i64, scratch_operands = 7 : i64, tpu.core_type = #tpu.core_type<sc_vector_subcore>, window_params = [{transform_indices = #map}, {transform_indices = #map}, {transform_indices = #map}]} {
    %mul3A = arith.constant 2 : i32
    %mul3A_0 = arith.muli %arg1, %mul3A : i32
    %add3A = arith.addi %mul3A_0, %arg0 : i32
    %mul3A_1 = arith.constant 25600 : i32
    %mul3A_2 = arith.muli %add3A, %mul3A_1 : i32
    %multiple_of3A = tpu.assume_multiple %mul3A_2, 1280 : i32
    %jit3A = arith.constant 128 : i32
    %div3A = arith.divsi %multiple_of3A, %jit3A : i32
    %sign3A = arith.constant 0 : i32
    %sign3A_3 = arith.cmpi sgt, %multiple_of3A, %sign3A : i32
    %sign3A_4 = arith.extui %sign3A_3 : i1 to i32
    %sign3A_5 = arith.constant 0 : i32
    %sign3A_6 = arith.cmpi slt, %multiple_of3A, %sign3A_5 : i32
    %sign3A_7 = arith.extui %sign3A_6 : i1 to i32
    %sign3A_8 = arith.subi %sign3A_4, %sign3A_7 : i32
    %sign3A_9 = arith.constant 0 : i32
    %sign3A_10 = arith.cmpi sgt, %jit3A, %sign3A_9 : i32
    %sign3A_11 = arith.extui %sign3A_10 : i1 to i32
    %sign3A_12 = arith.constant 0 : i32
    %sign3A_13 = arith.cmpi slt, %jit3A, %sign3A_12 : i32
    %sign3A_14 = arith.extui %sign3A_13 : i1 to i32
    %sign3A_15 = arith.subi %sign3A_11, %sign3A_14 : i32
    %ne3A = arith.cmpi ne, %sign3A_8, %sign3A_15 : i32
    %rem3A = arith.remsi %multiple_of3A, %jit3A : i32
    %ne3A_16 = arith.constant 0 : i32
    %ne3A_17 = arith.cmpi ne, %rem3A, %ne3A_16 : i32
    %and3A = arith.andi %ne3A, %ne3A_17 : i1
    %sub3A = arith.constant 1 : i32
    %sub3A_18 = arith.subi %div3A, %sub3A : i32
    %select_n3A = arith.select %and3A, %sub3A_18, %div3A : i32
    %multiple_of3A_19 = tpu.assume_multiple %select_n3A, 8 : i32
    "tpu.region"() ({
      %run_scoped3A = tpu.sem_alloc : memref<!tpu.dma_semaphore, #tpu.memory_space<semaphore_mem>>
      %dma_start3A_133 = arith.constant 0 : i32
      %dma_start3A_134 = tpu.memref_slice %arg2[%multiple_of3A_19, %dma_start3A_133] : memref<6400x128xi32, #tpu.memory_space<hbm>> -> memref<200x128xi32, #tpu.memory_space<hbm>>
      %dma_start3A_135 = arith.constant 0 : i32
      %dma_start3A_136 = tpu.memref_slice %arg2[%multiple_of3A_19, %dma_start3A_135] : memref<6400x128xi32, #tpu.memory_space<hbm>> -> memref<200x128xi32, #tpu.memory_space<hbm>>
      tpu.enqueue_dma source(%dma_start3A_136 : memref<200x128xi32, #tpu.memory_space<hbm>>) target(%arg5 : memref<200x128xi32, #tpu.memory_space<vmem>>) target_semaphore(%run_scoped3A : memref<!tpu.dma_semaphore, #tpu.memory_space<semaphore_mem>>)
      %dma_wait3A_137 = arith.constant 0 : i32
      %dma_wait3A_138 = tpu.memref_slice %arg2[%multiple_of3A_19, %dma_wait3A_137] : memref<6400x128xi32, #tpu.memory_space<hbm>> -> memref<200x128xi32, #tpu.memory_space<hbm>>
      %dma_wait3A_139 = arith.constant 0 : i32
      %dma_wait3A_140 = tpu.memref_slice %arg2[%multiple_of3A_19, %dma_wait3A_139] : memref<6400x128xi32, #tpu.memory_space<hbm>> -> memref<200x128xi32, #tpu.memory_space<hbm>>
      tpu.wait_dma2 semaphore(%run_scoped3A : memref<!tpu.dma_semaphore, #tpu.memory_space<semaphore_mem>>) src(%dma_wait3A_140 : memref<200x128xi32, #tpu.memory_space<hbm>>) dst(%arg5 : memref<200x128xi32, #tpu.memory_space<vmem>>)
      tpu.yield
    }) : () -> ()
    %dma_start3A = arith.constant 0 : i32
    %dma_start3A_20 = arith.constant 0 : i32
    %dma_start3A_21 = arith.constant 0 : i32
    %dma_start3A_22 = tpu.memref_slice %arg6[%dma_start3A_20, %dma_start3A_21] : memref<1280x32xf32, #tpu.memory_space<vmem>> -> memref<128x32xf32, #tpu.memory_space<vmem>>
    %dma_start3A_23 = arith.constant 0 : i32
    %dma_start3A_24 = tpu.memref_slice %arg5[%dma_start3A, %dma_start3A_23] : memref<200x128xi32, #tpu.memory_space<vmem>> -> memref<1x128xi32, #tpu.memory_space<vmem>>
    %dma_start3A_25 = tpu.memref_squeeze %dma_start3A_24 : memref<1x128xi32, #tpu.memory_space<vmem>> -> memref<128xi32, #tpu.memory_space<vmem>>
    %dma_start3A_26 = arith.constant 0 : i32
    %dma_start3A_27 = arith.constant 0 : i32
    %dma_start3A_28 = tpu.memref_slice %arg3[%dma_start3A_26, %dma_start3A_27] : memref<1000000x32xf32, #tpu.memory_space<hbm>> -> memref<1000000x32xf32, #tpu.memory_space<hbm>>
    tpu.enqueue_indirect_dma source(%dma_start3A_28 : memref<1000000x32xf32, #tpu.memory_space<hbm>>) target(%dma_start3A_22 : memref<128x32xf32, #tpu.memory_space<vmem>>) offsets(%dma_start3A_25 : memref<128xi32, #tpu.memory_space<vmem>>) semaphore(%arg8 : memref<!tpu.dma_semaphore, #tpu.memory_space<semaphore_mem>>)
    %dma_start3A_29 = arith.constant 1 : i32
    %dma_start3A_30 = arith.constant 128 : i32
    %dma_start3A_31 = arith.constant 0 : i32
    %dma_start3A_32 = tpu.memref_slice %arg6[%dma_start3A_30, %dma_start3A_31] : memref<1280x32xf32, #tpu.memory_space<vmem>> -> memref<128x32xf32, #tpu.memory_space<vmem>>
    %dma_start3A_33 = arith.constant 0 : i32
    %dma_start3A_34 = tpu.memref_slice %arg5[%dma_start3A_29, %dma_start3A_33] : memref<200x128xi32, #tpu.memory_space<vmem>> -> memref<1x128xi32, #tpu.memory_space<vmem>>
    %dma_start3A_35 = tpu.memref_squeeze %dma_start3A_34 : memref<1x128xi32, #tpu.memory_space<vmem>> -> memref<128xi32, #tpu.memory_space<vmem>>
    %dma_start3A_36 = arith.constant 0 : i32
    %dma_start3A_37 = arith.constant 0 : i32
    %dma_start3A_38 = tpu.memref_slice %arg3[%dma_start3A_36, %dma_start3A_37] : memref<1000000x32xf32, #tpu.memory_space<hbm>> -> memref<1000000x32xf32, #tpu.memory_space<hbm>>
    tpu.enqueue_indirect_dma source(%dma_start3A_38 : memref<1000000x32xf32, #tpu.memory_space<hbm>>) target(%dma_start3A_32 : memref<128x32xf32, #tpu.memory_space<vmem>>) offsets(%dma_start3A_35 : memref<128xi32, #tpu.memory_space<vmem>>) semaphore(%arg8 : memref<!tpu.dma_semaphore, #tpu.memory_space<semaphore_mem>>)
    %dma_start3A_39 = arith.constant 2 : i32
    %dma_start3A_40 = arith.constant 256 : i32
    %dma_start3A_41 = arith.constant 0 : i32
    %dma_start3A_42 = tpu.memref_slice %arg6[%dma_start3A_40, %dma_start3A_41] : memref<1280x32xf32, #tpu.memory_space<vmem>> -> memref<128x32xf32, #tpu.memory_space<vmem>>
    %dma_start3A_43 = arith.constant 0 : i32
    %dma_start3A_44 = tpu.memref_slice %arg5[%dma_start3A_39, %dma_start3A_43] : memref<200x128xi32, #tpu.memory_space<vmem>> -> memref<1x128xi32, #tpu.memory_space<vmem>>
    %dma_start3A_45 = tpu.memref_squeeze %dma_start3A_44 : memref<1x128xi32, #tpu.memory_space<vmem>> -> memref<128xi32, #tpu.memory_space<vmem>>
    %dma_start3A_46 = arith.constant 0 : i32
    %dma_start3A_47 = arith.constant 0 : i32
    %dma_start3A_48 = tpu.memref_slice %arg3[%dma_start3A_46, %dma_start3A_47] : memref<1000000x32xf32, #tpu.memory_space<hbm>> -> memref<1000000x32xf32, #tpu.memory_space<hbm>>
    tpu.enqueue_indirect_dma source(%dma_start3A_48 : memref<1000000x32xf32, #tpu.memory_space<hbm>>) target(%dma_start3A_42 : memref<128x32xf32, #tpu.memory_space<vmem>>) offsets(%dma_start3A_45 : memref<128xi32, #tpu.memory_space<vmem>>) semaphore(%arg8 : memref<!tpu.dma_semaphore, #tpu.memory_space<semaphore_mem>>)
    %dma_start3A_49 = arith.constant 3 : i32
    %dma_start3A_50 = arith.constant 384 : i32
    %dma_start3A_51 = arith.constant 0 : i32
    %dma_start3A_52 = tpu.memref_slice %arg6[%dma_start3A_50, %dma_start3A_51] : memref<1280x32xf32, #tpu.memory_space<vmem>> -> memref<128x32xf32, #tpu.memory_space<vmem>>
    %dma_start3A_53 = arith.constant 0 : i32
    %dma_start3A_54 = tpu.memref_slice %arg5[%dma_start3A_49, %dma_start3A_53] : memref<200x128xi32, #tpu.memory_space<vmem>> -> memref<1x128xi32, #tpu.memory_space<vmem>>
    %dma_start3A_55 = tpu.memref_squeeze %dma_start3A_54 : memref<1x128xi32, #tpu.memory_space<vmem>> -> memref<128xi32, #tpu.memory_space<vmem>>
    %dma_start3A_56 = arith.constant 0 : i32
    %dma_start3A_57 = arith.constant 0 : i32
    %dma_start3A_58 = tpu.memref_slice %arg3[%dma_start3A_56, %dma_start3A_57] : memref<1000000x32xf32, #tpu.memory_space<hbm>> -> memref<1000000x32xf32, #tpu.memory_space<hbm>>
    tpu.enqueue_indirect_dma source(%dma_start3A_58 : memref<1000000x32xf32, #tpu.memory_space<hbm>>) target(%dma_start3A_52 : memref<128x32xf32, #tpu.memory_space<vmem>>) offsets(%dma_start3A_55 : memref<128xi32, #tpu.memory_space<vmem>>) semaphore(%arg8 : memref<!tpu.dma_semaphore, #tpu.memory_space<semaphore_mem>>)
    %dma_start3A_59 = arith.constant 4 : i32
    %dma_start3A_60 = arith.constant 512 : i32
    %dma_start3A_61 = arith.constant 0 : i32
    %dma_start3A_62 = tpu.memref_slice %arg6[%dma_start3A_60, %dma_start3A_61] : memref<1280x32xf32, #tpu.memory_space<vmem>> -> memref<128x32xf32, #tpu.memory_space<vmem>>
    %dma_start3A_63 = arith.constant 0 : i32
    %dma_start3A_64 = tpu.memref_slice %arg5[%dma_start3A_59, %dma_start3A_63] : memref<200x128xi32, #tpu.memory_space<vmem>> -> memref<1x128xi32, #tpu.memory_space<vmem>>
    %dma_start3A_65 = tpu.memref_squeeze %dma_start3A_64 : memref<1x128xi32, #tpu.memory_space<vmem>> -> memref<128xi32, #tpu.memory_space<vmem>>
    %dma_start3A_66 = arith.constant 0 : i32
    %dma_start3A_67 = arith.constant 0 : i32
    %dma_start3A_68 = tpu.memref_slice %arg3[%dma_start3A_66, %dma_start3A_67] : memref<1000000x32xf32, #tpu.memory_space<hbm>> -> memref<1000000x32xf32, #tpu.memory_space<hbm>>
    tpu.enqueue_indirect_dma source(%dma_start3A_68 : memref<1000000x32xf32, #tpu.memory_space<hbm>>) target(%dma_start3A_62 : memref<128x32xf32, #tpu.memory_space<vmem>>) offsets(%dma_start3A_65 : memref<128xi32, #tpu.memory_space<vmem>>) semaphore(%arg8 : memref<!tpu.dma_semaphore, #tpu.memory_space<semaphore_mem>>)
    %dma_start3A_69 = arith.constant 5 : i32
    %dma_start3A_70 = arith.constant 640 : i32
    %dma_start3A_71 = arith.constant 0 : i32
    %dma_start3A_72 = tpu.memref_slice %arg6[%dma_start3A_70, %dma_start3A_71] : memref<1280x32xf32, #tpu.memory_space<vmem>> -> memref<128x32xf32, #tpu.memory_space<vmem>>
    %dma_start3A_73 = arith.constant 0 : i32
    %dma_start3A_74 = tpu.memref_slice %arg5[%dma_start3A_69, %dma_start3A_73] : memref<200x128xi32, #tpu.memory_space<vmem>> -> memref<1x128xi32, #tpu.memory_space<vmem>>
    %dma_start3A_75 = tpu.memref_squeeze %dma_start3A_74 : memref<1x128xi32, #tpu.memory_space<vmem>> -> memref<128xi32, #tpu.memory_space<vmem>>
    %dma_start3A_76 = arith.constant 0 : i32
    %dma_start3A_77 = arith.constant 0 : i32
    %dma_start3A_78 = tpu.memref_slice %arg3[%dma_start3A_76, %dma_start3A_77] : memref<1000000x32xf32, #tpu.memory_space<hbm>> -> memref<1000000x32xf32, #tpu.memory_space<hbm>>
    tpu.enqueue_indirect_dma source(%dma_start3A_78 : memref<1000000x32xf32, #tpu.memory_space<hbm>>) target(%dma_start3A_72 : memref<128x32xf32, #tpu.memory_space<vmem>>) offsets(%dma_start3A_75 : memref<128xi32, #tpu.memory_space<vmem>>) semaphore(%arg8 : memref<!tpu.dma_semaphore, #tpu.memory_space<semaphore_mem>>)
    %dma_start3A_79 = arith.constant 6 : i32
    %dma_start3A_80 = arith.constant 768 : i32
    %dma_start3A_81 = arith.constant 0 : i32
    %dma_start3A_82 = tpu.memref_slice %arg6[%dma_start3A_80, %dma_start3A_81] : memref<1280x32xf32, #tpu.memory_space<vmem>> -> memref<128x32xf32, #tpu.memory_space<vmem>>
    %dma_start3A_83 = arith.constant 0 : i32
    %dma_start3A_84 = tpu.memref_slice %arg5[%dma_start3A_79, %dma_start3A_83] : memref<200x128xi32, #tpu.memory_space<vmem>> -> memref<1x128xi32, #tpu.memory_space<vmem>>
    %dma_start3A_85 = tpu.memref_squeeze %dma_start3A_84 : memref<1x128xi32, #tpu.memory_space<vmem>> -> memref<128xi32, #tpu.memory_space<vmem>>
    %dma_start3A_86 = arith.constant 0 : i32
    %dma_start3A_87 = arith.constant 0 : i32
    %dma_start3A_88 = tpu.memref_slice %arg3[%dma_start3A_86, %dma_start3A_87] : memref<1000000x32xf32, #tpu.memory_space<hbm>> -> memref<1000000x32xf32, #tpu.memory_space<hbm>>
    tpu.enqueue_indirect_dma source(%dma_start3A_88 : memref<1000000x32xf32, #tpu.memory_space<hbm>>) target(%dma_start3A_82 : memref<128x32xf32, #tpu.memory_space<vmem>>) offsets(%dma_start3A_85 : memref<128xi32, #tpu.memory_space<vmem>>) semaphore(%arg8 : memref<!tpu.dma_semaphore, #tpu.memory_space<semaphore_mem>>)
    %dma_start3A_89 = arith.constant 7 : i32
    %dma_start3A_90 = arith.constant 896 : i32
    %dma_start3A_91 = arith.constant 0 : i32
    %dma_start3A_92 = tpu.memref_slice %arg6[%dma_start3A_90, %dma_start3A_91] : memref<1280x32xf32, #tpu.memory_space<vmem>> -> memref<128x32xf32, #tpu.memory_space<vmem>>
    %dma_start3A_93 = arith.constant 0 : i32
    %dma_start3A_94 = tpu.memref_slice %arg5[%dma_start3A_89, %dma_start3A_93] : memref<200x128xi32, #tpu.memory_space<vmem>> -> memref<1x128xi32, #tpu.memory_space<vmem>>
    %dma_start3A_95 = tpu.memref_squeeze %dma_start3A_94 : memref<1x128xi32, #tpu.memory_space<vmem>> -> memref<128xi32, #tpu.memory_space<vmem>>
    %dma_start3A_96 = arith.constant 0 : i32
    %dma_start3A_97 = arith.constant 0 : i32
    %dma_start3A_98 = tpu.memref_slice %arg3[%dma_start3A_96, %dma_start3A_97] : memref<1000000x32xf32, #tpu.memory_space<hbm>> -> memref<1000000x32xf32, #tpu.memory_space<hbm>>
    tpu.enqueue_indirect_dma source(%dma_start3A_98 : memref<1000000x32xf32, #tpu.memory_space<hbm>>) target(%dma_start3A_92 : memref<128x32xf32, #tpu.memory_space<vmem>>) offsets(%dma_start3A_95 : memref<128xi32, #tpu.memory_space<vmem>>) semaphore(%arg8 : memref<!tpu.dma_semaphore, #tpu.memory_space<semaphore_mem>>)
    %dma_start3A_99 = arith.constant 8 : i32
    %dma_start3A_100 = arith.constant 1024 : i32
    %dma_start3A_101 = arith.constant 0 : i32
    %dma_start3A_102 = tpu.memref_slice %arg6[%dma_start3A_100, %dma_start3A_101] : memref<1280x32xf32, #tpu.memory_space<vmem>> -> memref<128x32xf32, #tpu.memory_space<vmem>>
    %dma_start3A_103 = arith.constant 0 : i32
    %dma_start3A_104 = tpu.memref_slice %arg5[%dma_start3A_99, %dma_start3A_103] : memref<200x128xi32, #tpu.memory_space<vmem>> -> memref<1x128xi32, #tpu.memory_space<vmem>>
    %dma_start3A_105 = tpu.memref_squeeze %dma_start3A_104 : memref<1x128xi32, #tpu.memory_space<vmem>> -> memref<128xi32, #tpu.memory_space<vmem>>
    %dma_start3A_106 = arith.constant 0 : i32
    %dma_start3A_107 = arith.constant 0 : i32
    %dma_start3A_108 = tpu.memref_slice %arg3[%dma_start3A_106, %dma_start3A_107] : memref<1000000x32xf32, #tpu.memory_space<hbm>> -> memref<1000000x32xf32, #tpu.memory_space<hbm>>
    tpu.enqueue_indirect_dma source(%dma_start3A_108 : memref<1000000x32xf32, #tpu.memory_space<hbm>>) target(%dma_start3A_102 : memref<128x32xf32, #tpu.memory_space<vmem>>) offsets(%dma_start3A_105 : memref<128xi32, #tpu.memory_space<vmem>>) semaphore(%arg8 : memref<!tpu.dma_semaphore, #tpu.memory_space<semaphore_mem>>)
    %dma_start3A_109 = arith.constant 9 : i32
    %dma_start3A_110 = arith.constant 1152 : i32
    %dma_start3A_111 = arith.constant 0 : i32
    %dma_start3A_112 = tpu.memref_slice %arg6[%dma_start3A_110, %dma_start3A_111] : memref<1280x32xf32, #tpu.memory_space<vmem>> -> memref<128x32xf32, #tpu.memory_space<vmem>>
    %dma_start3A_113 = arith.constant 0 : i32
    %dma_start3A_114 = tpu.memref_slice %arg5[%dma_start3A_109, %dma_start3A_113] : memref<200x128xi32, #tpu.memory_space<vmem>> -> memref<1x128xi32, #tpu.memory_space<vmem>>
    %dma_start3A_115 = tpu.memref_squeeze %dma_start3A_114 : memref<1x128xi32, #tpu.memory_space<vmem>> -> memref<128xi32, #tpu.memory_space<vmem>>
    %dma_start3A_116 = arith.constant 0 : i32
    %dma_start3A_117 = arith.constant 0 : i32
    %dma_start3A_118 = tpu.memref_slice %arg3[%dma_start3A_116, %dma_start3A_117] : memref<1000000x32xf32, #tpu.memory_space<hbm>> -> memref<1000000x32xf32, #tpu.memory_space<hbm>>
    tpu.enqueue_indirect_dma source(%dma_start3A_118 : memref<1000000x32xf32, #tpu.memory_space<hbm>>) target(%dma_start3A_112 : memref<128x32xf32, #tpu.memory_space<vmem>>) offsets(%dma_start3A_115 : memref<128xi32, #tpu.memory_space<vmem>>) semaphore(%arg8 : memref<!tpu.dma_semaphore, #tpu.memory_space<semaphore_mem>>)
    %scan3A = arith.constant 0 : i32
    %scan3A_119 = arith.constant 0 : i32
    %scan3A_120 = arith.constant 10 : i32
    %scan3A_121 = arith.addi %scan3A_119, %scan3A_120 : i32
    %scan3A_122 = arith.constant 1 : i32
    scf.for %scan3A_133 = %scan3A_119 to %scan3A_121 step %scan3A_122  : i32 {
      %mul3A_134 = arith.constant 2 : i32
      %mul3A_135 = arith.muli %mul3A_134, %scan3A_133 : i32
      %multiple_of3A_136 = tpu.assume_multiple %mul3A_135, 2 : i32
      %gt3A = arith.constant 0 : i32
      %gt3A_137 = arith.cmpi sgt, %scan3A_133, %gt3A : i32
      %convert_element_type3A_138 = arith.extui %gt3A_137 : i1 to i32
      %cond3A_139 = arith.constant 0 : i32
      %cond3A_140 = arith.cmpi ne, %convert_element_type3A_138, %cond3A_139 : i32
      scf.if %cond3A_140 {
        %dma_wait3A_307 = arith.constant 0 : i32
        %dma_wait3A_308 = tpu.memref_slice %arg4[%multiple_of3A, %dma_wait3A_307] : memref<819200x32xf32, #tpu.memory_space<hbm>> -> memref<1280x32xf32, #tpu.memory_space<hbm>>
        %dma_wait3A_309 = arith.constant 0 : i32
        %dma_wait3A_310 = tpu.memref_slice %arg4[%multiple_of3A, %dma_wait3A_309] : memref<819200x32xf32, #tpu.memory_space<hbm>> -> memref<1280x32xf32, #tpu.memory_space<hbm>>
        tpu.wait_dma2 semaphore(%arg11 : memref<!tpu.dma_semaphore, #tpu.memory_space<semaphore_mem>>) src(%arg7 : memref<1280x32xf32, #tpu.memory_space<vmem>>) dst(%dma_wait3A_310 : memref<1280x32xf32, #tpu.memory_space<hbm>>)
      } else {
      }
      %add3A_141 = arith.constant 1 : i32
      %add3A_142 = arith.addi %multiple_of3A_136, %add3A_141 : i32
      %mul3A_143 = arith.constant 10 : i32
      %mul3A_144 = arith.muli %add3A_142, %mul3A_143 : i32
      %add3A_145 = arith.constant 0 : i32
      %add3A_146 = arith.addi %mul3A_144, %add3A_145 : i32
      %dma_start3A_147 = arith.constant 0 : i32
      %dma_start3A_148 = arith.constant 0 : i32
      %dma_start3A_149 = tpu.memref_slice %arg7[%dma_start3A_147, %dma_start3A_148] : memref<1280x32xf32, #tpu.memory_space<vmem>> -> memref<128x32xf32, #tpu.memory_space<vmem>>
      %dma_start3A_150 = arith.constant 0 : i32
      %dma_start3A_151 = tpu.memref_slice %arg5[%add3A_146, %dma_start3A_150] : memref<200x128xi32, #tpu.memory_space<vmem>> -> memref<1x128xi32, #tpu.memory_space<vmem>>
      %dma_start3A_152 = tpu.memref_squeeze %dma_start3A_151 : memref<1x128xi32, #tpu.memory_space<vmem>> -> memref<128xi32, #tpu.memory_space<vmem>>
      %dma_start3A_153 = arith.constant 0 : i32
      %dma_start3A_154 = arith.constant 0 : i32
      %dma_start3A_155 = tpu.memref_slice %arg3[%dma_start3A_153, %dma_start3A_154] : memref<1000000x32xf32, #tpu.memory_space<hbm>> -> memref<1000000x32xf32, #tpu.memory_space<hbm>>
      tpu.enqueue_indirect_dma source(%dma_start3A_155 : memref<1000000x32xf32, #tpu.memory_space<hbm>>) target(%dma_start3A_149 : memref<128x32xf32, #tpu.memory_space<vmem>>) offsets(%dma_start3A_152 : memref<128xi32, #tpu.memory_space<vmem>>) semaphore(%arg9 : memref<!tpu.dma_semaphore, #tpu.memory_space<semaphore_mem>>)
      %mul3A_156 = arith.constant 10 : i32
      %mul3A_157 = arith.muli %add3A_142, %mul3A_156 : i32
      %add3A_158 = arith.constant 1 : i32
      %add3A_159 = arith.addi %mul3A_157, %add3A_158 : i32
      %dma_start3A_160 = arith.constant 128 : i32
      %dma_start3A_161 = arith.constant 0 : i32
      %dma_start3A_162 = tpu.memref_slice %arg7[%dma_start3A_160, %dma_start3A_161] : memref<1280x32xf32, #tpu.memory_space<vmem>> -> memref<128x32xf32, #tpu.memory_space<vmem>>
      %dma_start3A_163 = arith.constant 0 : i32
      %dma_start3A_164 = tpu.memref_slice %arg5[%add3A_159, %dma_start3A_163] : memref<200x128xi32, #tpu.memory_space<vmem>> -> memref<1x128xi32, #tpu.memory_space<vmem>>
      %dma_start3A_165 = tpu.memref_squeeze %dma_start3A_164 : memref<1x128xi32, #tpu.memory_space<vmem>> -> memref<128xi32, #tpu.memory_space<vmem>>
      %dma_start3A_166 = arith.constant 0 : i32
      %dma_start3A_167 = arith.constant 0 : i32
      %dma_start3A_168 = tpu.memref_slice %arg3[%dma_start3A_166, %dma_start3A_167] : memref<1000000x32xf32, #tpu.memory_space<hbm>> -> memref<1000000x32xf32, #tpu.memory_space<hbm>>
      tpu.enqueue_indirect_dma source(%dma_start3A_168 : memref<1000000x32xf32, #tpu.memory_space<hbm>>) target(%dma_start3A_162 : memref<128x32xf32, #tpu.memory_space<vmem>>) offsets(%dma_start3A_165 : memref<128xi32, #tpu.memory_space<vmem>>) semaphore(%arg9 : memref<!tpu.dma_semaphore, #tpu.memory_space<semaphore_mem>>)
      %mul3A_169 = arith.constant 10 : i32
      %mul3A_170 = arith.muli %add3A_142, %mul3A_169 : i32
      %add3A_171 = arith.constant 2 : i32
      %add3A_172 = arith.addi %mul3A_170, %add3A_171 : i32
      %dma_start3A_173 = arith.constant 256 : i32
      %dma_start3A_174 = arith.constant 0 : i32
      %dma_start3A_175 = tpu.memref_slice %arg7[%dma_start3A_173, %dma_start3A_174] : memref<1280x32xf32, #tpu.memory_space<vmem>> -> memref<128x32xf32, #tpu.memory_space<vmem>>
      %dma_start3A_176 = arith.constant 0 : i32
      %dma_start3A_177 = tpu.memref_slice %arg5[%add3A_172, %dma_start3A_176] : memref<200x128xi32, #tpu.memory_space<vmem>> -> memref<1x128xi32, #tpu.memory_space<vmem>>
      %dma_start3A_178 = tpu.memref_squeeze %dma_start3A_177 : memref<1x128xi32, #tpu.memory_space<vmem>> -> memref<128xi32, #tpu.memory_space<vmem>>
      %dma_start3A_179 = arith.constant 0 : i32
      %dma_start3A_180 = arith.constant 0 : i32
      %dma_start3A_181 = tpu.memref_slice %arg3[%dma_start3A_179, %dma_start3A_180] : memref<1000000x32xf32, #tpu.memory_space<hbm>> -> memref<1000000x32xf32, #tpu.memory_space<hbm>>
      tpu.enqueue_indirect_dma source(%dma_start3A_181 : memref<1000000x32xf32, #tpu.memory_space<hbm>>) target(%dma_start3A_175 : memref<128x32xf32, #tpu.memory_space<vmem>>) offsets(%dma_start3A_178 : memref<128xi32, #tpu.memory_space<vmem>>) semaphore(%arg9 : memref<!tpu.dma_semaphore, #tpu.memory_space<semaphore_mem>>)
      %mul3A_182 = arith.constant 10 : i32
      %mul3A_183 = arith.muli %add3A_142, %mul3A_182 : i32
      %add3A_184 = arith.constant 3 : i32
      %add3A_185 = arith.addi %mul3A_183, %add3A_184 : i32
      %dma_start3A_186 = arith.constant 384 : i32
      %dma_start3A_187 = arith.constant 0 : i32
      %dma_start3A_188 = tpu.memref_slice %arg7[%dma_start3A_186, %dma_start3A_187] : memref<1280x32xf32, #tpu.memory_space<vmem>> -> memref<128x32xf32, #tpu.memory_space<vmem>>
      %dma_start3A_189 = arith.constant 0 : i32
      %dma_start3A_190 = tpu.memref_slice %arg5[%add3A_185, %dma_start3A_189] : memref<200x128xi32, #tpu.memory_space<vmem>> -> memref<1x128xi32, #tpu.memory_space<vmem>>
      %dma_start3A_191 = tpu.memref_squeeze %dma_start3A_190 : memref<1x128xi32, #tpu.memory_space<vmem>> -> memref<128xi32, #tpu.memory_space<vmem>>
      %dma_start3A_192 = arith.constant 0 : i32
      %dma_start3A_193 = arith.constant 0 : i32
      %dma_start3A_194 = tpu.memref_slice %arg3[%dma_start3A_192, %dma_start3A_193] : memref<1000000x32xf32, #tpu.memory_space<hbm>> -> memref<1000000x32xf32, #tpu.memory_space<hbm>>
      tpu.enqueue_indirect_dma source(%dma_start3A_194 : memref<1000000x32xf32, #tpu.memory_space<hbm>>) target(%dma_start3A_188 : memref<128x32xf32, #tpu.memory_space<vmem>>) offsets(%dma_start3A_191 : memref<128xi32, #tpu.memory_space<vmem>>) semaphore(%arg9 : memref<!tpu.dma_semaphore, #tpu.memory_space<semaphore_mem>>)
      %mul3A_195 = arith.constant 10 : i32
      %mul3A_196 = arith.muli %add3A_142, %mul3A_195 : i32
      %add3A_197 = arith.constant 4 : i32
      %add3A_198 = arith.addi %mul3A_196, %add3A_197 : i32
      %dma_start3A_199 = arith.constant 512 : i32
      %dma_start3A_200 = arith.constant 0 : i32
      %dma_start3A_201 = tpu.memref_slice %arg7[%dma_start3A_199, %dma_start3A_200] : memref<1280x32xf32, #tpu.memory_space<vmem>> -> memref<128x32xf32, #tpu.memory_space<vmem>>
      %dma_start3A_202 = arith.constant 0 : i32
      %dma_start3A_203 = tpu.memref_slice %arg5[%add3A_198, %dma_start3A_202] : memref<200x128xi32, #tpu.memory_space<vmem>> -> memref<1x128xi32, #tpu.memory_space<vmem>>
      %dma_start3A_204 = tpu.memref_squeeze %dma_start3A_203 : memref<1x128xi32, #tpu.memory_space<vmem>> -> memref<128xi32, #tpu.memory_space<vmem>>
      %dma_start3A_205 = arith.constant 0 : i32
      %dma_start3A_206 = arith.constant 0 : i32
      %dma_start3A_207 = tpu.memref_slice %arg3[%dma_start3A_205, %dma_start3A_206] : memref<1000000x32xf32, #tpu.memory_space<hbm>> -> memref<1000000x32xf32, #tpu.memory_space<hbm>>
      tpu.enqueue_indirect_dma source(%dma_start3A_207 : memref<1000000x32xf32, #tpu.memory_space<hbm>>) target(%dma_start3A_201 : memref<128x32xf32, #tpu.memory_space<vmem>>) offsets(%dma_start3A_204 : memref<128xi32, #tpu.memory_space<vmem>>) semaphore(%arg9 : memref<!tpu.dma_semaphore, #tpu.memory_space<semaphore_mem>>)
      %mul3A_208 = arith.constant 10 : i32
      %mul3A_209 = arith.muli %add3A_142, %mul3A_208 : i32
      %add3A_210 = arith.constant 5 : i32
      %add3A_211 = arith.addi %mul3A_209, %add3A_210 : i32
      %dma_start3A_212 = arith.constant 640 : i32
      %dma_start3A_213 = arith.constant 0 : i32
      %dma_start3A_214 = tpu.memref_slice %arg7[%dma_start3A_212, %dma_start3A_213] : memref<1280x32xf32, #tpu.memory_space<vmem>> -> memref<128x32xf32, #tpu.memory_space<vmem>>
      %dma_start3A_215 = arith.constant 0 : i32
      %dma_start3A_216 = tpu.memref_slice %arg5[%add3A_211, %dma_start3A_215] : memref<200x128xi32, #tpu.memory_space<vmem>> -> memref<1x128xi32, #tpu.memory_space<vmem>>
      %dma_start3A_217 = tpu.memref_squeeze %dma_start3A_216 : memref<1x128xi32, #tpu.memory_space<vmem>> -> memref<128xi32, #tpu.memory_space<vmem>>
      %dma_start3A_218 = arith.constant 0 : i32
      %dma_start3A_219 = arith.constant 0 : i32
      %dma_start3A_220 = tpu.memref_slice %arg3[%dma_start3A_218, %dma_start3A_219] : memref<1000000x32xf32, #tpu.memory_space<hbm>> -> memref<1000000x32xf32, #tpu.memory_space<hbm>>
      tpu.enqueue_indirect_dma source(%dma_start3A_220 : memref<1000000x32xf32, #tpu.memory_space<hbm>>) target(%dma_start3A_214 : memref<128x32xf32, #tpu.memory_space<vmem>>) offsets(%dma_start3A_217 : memref<128xi32, #tpu.memory_space<vmem>>) semaphore(%arg9 : memref<!tpu.dma_semaphore, #tpu.memory_space<semaphore_mem>>)
      %mul3A_221 = arith.constant 10 : i32
      %mul3A_222 = arith.muli %add3A_142, %mul3A_221 : i32
      %add3A_223 = arith.constant 6 : i32
      %add3A_224 = arith.addi %mul3A_222, %add3A_223 : i32
      %dma_start3A_225 = arith.constant 768 : i32
      %dma_start3A_226 = arith.constant 0 : i32
      %dma_start3A_227 = tpu.memref_slice %arg7[%dma_start3A_225, %dma_start3A_226] : memref<1280x32xf32, #tpu.memory_space<vmem>> -> memref<128x32xf32, #tpu.memory_space<vmem>>
      %dma_start3A_228 = arith.constant 0 : i32
      %dma_start3A_229 = tpu.memref_slice %arg5[%add3A_224, %dma_start3A_228] : memref<200x128xi32, #tpu.memory_space<vmem>> -> memref<1x128xi32, #tpu.memory_space<vmem>>
      %dma_start3A_230 = tpu.memref_squeeze %dma_start3A_229 : memref<1x128xi32, #tpu.memory_space<vmem>> -> memref<128xi32, #tpu.memory_space<vmem>>
      %dma_start3A_231 = arith.constant 0 : i32
      %dma_start3A_232 = arith.constant 0 : i32
      %dma_start3A_233 = tpu.memref_slice %arg3[%dma_start3A_231, %dma_start3A_232] : memref<1000000x32xf32, #tpu.memory_space<hbm>> -> memref<1000000x32xf32, #tpu.memory_space<hbm>>
      tpu.enqueue_indirect_dma source(%dma_start3A_233 : memref<1000000x32xf32, #tpu.memory_space<hbm>>) target(%dma_start3A_227 : memref<128x32xf32, #tpu.memory_space<vmem>>) offsets(%dma_start3A_230 : memref<128xi32, #tpu.memory_space<vmem>>) semaphore(%arg9 : memref<!tpu.dma_semaphore, #tpu.memory_space<semaphore_mem>>)
      %mul3A_234 = arith.constant 10 : i32
      %mul3A_235 = arith.muli %add3A_142, %mul3A_234 : i32
      %add3A_236 = arith.constant 7 : i32
      %add3A_237 = arith.addi %mul3A_235, %add3A_236 : i32
      %dma_start3A_238 = arith.constant 896 : i32
      %dma_start3A_239 = arith.constant 0 : i32
      %dma_start3A_240 = tpu.memref_slice %arg7[%dma_start3A_238, %dma_start3A_239] : memref<1280x32xf32, #tpu.memory_space<vmem>> -> memref<128x32xf32, #tpu.memory_space<vmem>>
      %dma_start3A_241 = arith.constant 0 : i32
      %dma_start3A_242 = tpu.memref_slice %arg5[%add3A_237, %dma_start3A_241] : memref<200x128xi32, #tpu.memory_space<vmem>> -> memref<1x128xi32, #tpu.memory_space<vmem>>
      %dma_start3A_243 = tpu.memref_squeeze %dma_start3A_242 : memref<1x128xi32, #tpu.memory_space<vmem>> -> memref<128xi32, #tpu.memory_space<vmem>>
      %dma_start3A_244 = arith.constant 0 : i32
      %dma_start3A_245 = arith.constant 0 : i32
      %dma_start3A_246 = tpu.memref_slice %arg3[%dma_start3A_244, %dma_start3A_245] : memref<1000000x32xf32, #tpu.memory_space<hbm>> -> memref<1000000x32xf32, #tpu.memory_space<hbm>>
      tpu.enqueue_indirect_dma source(%dma_start3A_246 : memref<1000000x32xf32, #tpu.memory_space<hbm>>) target(%dma_start3A_240 : memref<128x32xf32, #tpu.memory_space<vmem>>) offsets(%dma_start3A_243 : memref<128xi32, #tpu.memory_space<vmem>>) semaphore(%arg9 : memref<!tpu.dma_semaphore, #tpu.memory_space<semaphore_mem>>)
      %mul3A_247 = arith.constant 10 : i32
      %mul3A_248 = arith.muli %add3A_142, %mul3A_247 : i32
      %add3A_249 = arith.constant 8 : i32
      %add3A_250 = arith.addi %mul3A_248, %add3A_249 : i32
      %dma_start3A_251 = arith.constant 1024 : i32
      %dma_start3A_252 = arith.constant 0 : i32
      %dma_start3A_253 = tpu.memref_slice %arg7[%dma_start3A_251, %dma_start3A_252] : memref<1280x32xf32, #tpu.memory_space<vmem>> -> memref<128x32xf32, #tpu.memory_space<vmem>>
      %dma_start3A_254 = arith.constant 0 : i32
      %dma_start3A_255 = tpu.memref_slice %arg5[%add3A_250, %dma_start3A_254] : memref<200x128xi32, #tpu.memory_space<vmem>> -> memref<1x128xi32, #tpu.memory_space<vmem>>
      %dma_start3A_256 = tpu.memref_squeeze %dma_start3A_255 : memref<1x128xi32, #tpu.memory_space<vmem>> -> memref<128xi32, #tpu.memory_space<vmem>>
      %dma_start3A_257 = arith.constant 0 : i32
      %dma_start3A_258 = arith.constant 0 : i32
      %dma_start3A_259 = tpu.memref_slice %arg3[%dma_start3A_257, %dma_start3A_258] : memref<1000000x32xf32, #tpu.memory_space<hbm>> -> memref<1000000x32xf32, #tpu.memory_space<hbm>>
      tpu.enqueue_indirect_dma source(%dma_start3A_259 : memref<1000000x32xf32, #tpu.memory_space<hbm>>) target(%dma_start3A_253 : memref<128x32xf32, #tpu.memory_space<vmem>>) offsets(%dma_start3A_256 : memref<128xi32, #tpu.memory_space<vmem>>) semaphore(%arg9 : memref<!tpu.dma_semaphore, #tpu.memory_space<semaphore_mem>>)
      %mul3A_260 = arith.constant 10 : i32
      %mul3A_261 = arith.muli %add3A_142, %mul3A_260 : i32
      %add3A_262 = arith.constant 9 : i32
      %add3A_263 = arith.addi %mul3A_261, %add3A_262 : i32
      %dma_start3A_264 = arith.constant 1152 : i32
      %dma_start3A_265 = arith.constant 0 : i32
      %dma_start3A_266 = tpu.memref_slice %arg7[%dma_start3A_264, %dma_start3A_265] : memref<1280x32xf32, #tpu.memory_space<vmem>> -> memref<128x32xf32, #tpu.memory_space<vmem>>
      %dma_start3A_267 = arith.constant 0 : i32
      %dma_start3A_268 = tpu.memref_slice %arg5[%add3A_263, %dma_start3A_267] : memref<200x128xi32, #tpu.memory_space<vmem>> -> memref<1x128xi32, #tpu.memory_space<vmem>>
      %dma_start3A_269 = tpu.memref_squeeze %dma_start3A_268 : memref<1x128xi32, #tpu.memory_space<vmem>> -> memref<128xi32, #tpu.memory_space<vmem>>
      %dma_start3A_270 = arith.constant 0 : i32
      %dma_start3A_271 = arith.constant 0 : i32
      %dma_start3A_272 = tpu.memref_slice %arg3[%dma_start3A_270, %dma_start3A_271] : memref<1000000x32xf32, #tpu.memory_space<hbm>> -> memref<1000000x32xf32, #tpu.memory_space<hbm>>
      tpu.enqueue_indirect_dma source(%dma_start3A_272 : memref<1000000x32xf32, #tpu.memory_space<hbm>>) target(%dma_start3A_266 : memref<128x32xf32, #tpu.memory_space<vmem>>) offsets(%dma_start3A_269 : memref<128xi32, #tpu.memory_space<vmem>>) semaphore(%arg9 : memref<!tpu.dma_semaphore, #tpu.memory_space<semaphore_mem>>)
      %dma_wait3A_273 = arith.constant 0 : i32
      %dma_wait3A_274 = arith.constant 0 : i32
      %dma_wait3A_275 = tpu.memref_slice %arg3[%dma_wait3A_273, %dma_wait3A_274] : memref<1000000x32xf32, #tpu.memory_space<hbm>> -> memref<1280x32xf32, #tpu.memory_space<hbm>>
      %dma_wait3A_276 = arith.constant 0 : i32
      %dma_wait3A_277 = arith.constant 0 : i32
      %dma_wait3A_278 = tpu.memref_slice %arg3[%dma_wait3A_276, %dma_wait3A_277] : memref<1000000x32xf32, #tpu.memory_space<hbm>> -> memref<1280x32xf32, #tpu.memory_space<hbm>>
      tpu.wait_dma2 semaphore(%arg8 : memref<!tpu.dma_semaphore, #tpu.memory_space<semaphore_mem>>) src(%dma_wait3A_278 : memref<1280x32xf32, #tpu.memory_space<hbm>>) dst(%arg6 : memref<1280x32xf32, #tpu.memory_space<vmem>>)
      %mul3A_279 = arith.constant 1280 : i32
      %mul3A_280 = arith.muli %multiple_of3A_136, %mul3A_279 : i32
      %add3A_281 = arith.addi %multiple_of3A, %mul3A_280 : i32
      %multiple_of3A_282 = tpu.assume_multiple %add3A_281, 1280 : i32
      %dma_start3A_283 = arith.constant 0 : i32
      %dma_start3A_284 = tpu.memref_slice %arg4[%multiple_of3A_282, %dma_start3A_283] : memref<819200x32xf32, #tpu.memory_space<hbm>> -> memref<1280x32xf32, #tpu.memory_space<hbm>>
      %dma_start3A_285 = arith.constant 0 : i32
      %dma_start3A_286 = tpu.memref_slice %arg4[%multiple_of3A_282, %dma_start3A_285] : memref<819200x32xf32, #tpu.memory_space<hbm>> -> memref<1280x32xf32, #tpu.memory_space<hbm>>
      tpu.enqueue_dma source(%arg6 : memref<1280x32xf32, #tpu.memory_space<vmem>>) target(%dma_start3A_286 : memref<1280x32xf32, #tpu.memory_space<hbm>>) target_semaphore(%arg10 : memref<!tpu.dma_semaphore, #tpu.memory_space<semaphore_mem>>)
      %lt3A = arith.constant 9 : i32
      %lt3A_287 = arith.cmpi slt, %scan3A_133, %lt3A : i32
      %convert_element_type3A_288 = arith.extui %lt3A_287 : i1 to i32
      %cond3A_289 = arith.constant 0 : i32
      %cond3A_290 = arith.cmpi ne, %convert_element_type3A_288, %cond3A_289 : i32
      scf.if %cond3A_290 {
        %dma_wait3A_307 = arith.constant 0 : i32
        %dma_wait3A_308 = tpu.memref_slice %arg4[%multiple_of3A, %dma_wait3A_307] : memref<819200x32xf32, #tpu.memory_space<hbm>> -> memref<1280x32xf32, #tpu.memory_space<hbm>>
        %dma_wait3A_309 = arith.constant 0 : i32
        %dma_wait3A_310 = tpu.memref_slice %arg4[%multiple_of3A, %dma_wait3A_309] : memref<819200x32xf32, #tpu.memory_space<hbm>> -> memref<1280x32xf32, #tpu.memory_space<hbm>>
        tpu.wait_dma2 semaphore(%arg10 : memref<!tpu.dma_semaphore, #tpu.memory_space<semaphore_mem>>) src(%arg6 : memref<1280x32xf32, #tpu.memory_space<vmem>>) dst(%dma_wait3A_310 : memref<1280x32xf32, #tpu.memory_space<hbm>>)
        %add3A_311 = arith.constant 2 : i32
        %add3A_312 = arith.addi %multiple_of3A_136, %add3A_311 : i32
        %mul3A_313 = arith.constant 10 : i32
        %mul3A_314 = arith.muli %add3A_312, %mul3A_313 : i32
        %add3A_315 = arith.constant 0 : i32
        %add3A_316 = arith.addi %mul3A_314, %add3A_315 : i32
        %dma_start3A_317 = arith.constant 0 : i32
        %dma_start3A_318 = arith.constant 0 : i32
        %dma_start3A_319 = tpu.memref_slice %arg6[%dma_start3A_317, %dma_start3A_318] : memref<1280x32xf32, #tpu.memory_space<vmem>> -> memref<128x32xf32, #tpu.memory_space<vmem>>
        %dma_start3A_320 = arith.constant 0 : i32
        %dma_start3A_321 = tpu.memref_slice %arg5[%add3A_316, %dma_start3A_320] : memref<200x128xi32, #tpu.memory_space<vmem>> -> memref<1x128xi32, #tpu.memory_space<vmem>>
        %dma_start3A_322 = tpu.memref_squeeze %dma_start3A_321 : memref<1x128xi32, #tpu.memory_space<vmem>> -> memref<128xi32, #tpu.memory_space<vmem>>
        %dma_start3A_323 = arith.constant 0 : i32
        %dma_start3A_324 = arith.constant 0 : i32
        %dma_start3A_325 = tpu.memref_slice %arg3[%dma_start3A_323, %dma_start3A_324] : memref<1000000x32xf32, #tpu.memory_space<hbm>> -> memref<1000000x32xf32, #tpu.memory_space<hbm>>
        tpu.enqueue_indirect_dma source(%dma_start3A_325 : memref<1000000x32xf32, #tpu.memory_space<hbm>>) target(%dma_start3A_319 : memref<128x32xf32, #tpu.memory_space<vmem>>) offsets(%dma_start3A_322 : memref<128xi32, #tpu.memory_space<vmem>>) semaphore(%arg8 : memref<!tpu.dma_semaphore, #tpu.memory_space<semaphore_mem>>)
        %mul3A_326 = arith.constant 10 : i32
        %mul3A_327 = arith.muli %add3A_312, %mul3A_326 : i32
        %add3A_328 = arith.constant 1 : i32
        %add3A_329 = arith.addi %mul3A_327, %add3A_328 : i32
        %dma_start3A_330 = arith.constant 128 : i32
        %dma_start3A_331 = arith.constant 0 : i32
        %dma_start3A_332 = tpu.memref_slice %arg6[%dma_start3A_330, %dma_start3A_331] : memref<1280x32xf32, #tpu.memory_space<vmem>> -> memref<128x32xf32, #tpu.memory_space<vmem>>
        %dma_start3A_333 = arith.constant 0 : i32
        %dma_start3A_334 = tpu.memref_slice %arg5[%add3A_329, %dma_start3A_333] : memref<200x128xi32, #tpu.memory_space<vmem>> -> memref<1x128xi32, #tpu.memory_space<vmem>>
        %dma_start3A_335 = tpu.memref_squeeze %dma_start3A_334 : memref<1x128xi32, #tpu.memory_space<vmem>> -> memref<128xi32, #tpu.memory_space<vmem>>
        %dma_start3A_336 = arith.constant 0 : i32
        %dma_start3A_337 = arith.constant 0 : i32
        %dma_start3A_338 = tpu.memref_slice %arg3[%dma_start3A_336, %dma_start3A_337] : memref<1000000x32xf32, #tpu.memory_space<hbm>> -> memref<1000000x32xf32, #tpu.memory_space<hbm>>
        tpu.enqueue_indirect_dma source(%dma_start3A_338 : memref<1000000x32xf32, #tpu.memory_space<hbm>>) target(%dma_start3A_332 : memref<128x32xf32, #tpu.memory_space<vmem>>) offsets(%dma_start3A_335 : memref<128xi32, #tpu.memory_space<vmem>>) semaphore(%arg8 : memref<!tpu.dma_semaphore, #tpu.memory_space<semaphore_mem>>)
        %mul3A_339 = arith.constant 10 : i32
        %mul3A_340 = arith.muli %add3A_312, %mul3A_339 : i32
        %add3A_341 = arith.constant 2 : i32
        %add3A_342 = arith.addi %mul3A_340, %add3A_341 : i32
        %dma_start3A_343 = arith.constant 256 : i32
        %dma_start3A_344 = arith.constant 0 : i32
        %dma_start3A_345 = tpu.memref_slice %arg6[%dma_start3A_343, %dma_start3A_344] : memref<1280x32xf32, #tpu.memory_space<vmem>> -> memref<128x32xf32, #tpu.memory_space<vmem>>
        %dma_start3A_346 = arith.constant 0 : i32
        %dma_start3A_347 = tpu.memref_slice %arg5[%add3A_342, %dma_start3A_346] : memref<200x128xi32, #tpu.memory_space<vmem>> -> memref<1x128xi32, #tpu.memory_space<vmem>>
        %dma_start3A_348 = tpu.memref_squeeze %dma_start3A_347 : memref<1x128xi32, #tpu.memory_space<vmem>> -> memref<128xi32, #tpu.memory_space<vmem>>
        %dma_start3A_349 = arith.constant 0 : i32
        %dma_start3A_350 = arith.constant 0 : i32
        %dma_start3A_351 = tpu.memref_slice %arg3[%dma_start3A_349, %dma_start3A_350] : memref<1000000x32xf32, #tpu.memory_space<hbm>> -> memref<1000000x32xf32, #tpu.memory_space<hbm>>
        tpu.enqueue_indirect_dma source(%dma_start3A_351 : memref<1000000x32xf32, #tpu.memory_space<hbm>>) target(%dma_start3A_345 : memref<128x32xf32, #tpu.memory_space<vmem>>) offsets(%dma_start3A_348 : memref<128xi32, #tpu.memory_space<vmem>>) semaphore(%arg8 : memref<!tpu.dma_semaphore, #tpu.memory_space<semaphore_mem>>)
        %mul3A_352 = arith.constant 10 : i32
        %mul3A_353 = arith.muli %add3A_312, %mul3A_352 : i32
        %add3A_354 = arith.constant 3 : i32
        %add3A_355 = arith.addi %mul3A_353, %add3A_354 : i32
        %dma_start3A_356 = arith.constant 384 : i32
        %dma_start3A_357 = arith.constant 0 : i32
        %dma_start3A_358 = tpu.memref_slice %arg6[%dma_start3A_356, %dma_start3A_357] : memref<1280x32xf32, #tpu.memory_space<vmem>> -> memref<128x32xf32, #tpu.memory_space<vmem>>
        %dma_start3A_359 = arith.constant 0 : i32
        %dma_start3A_360 = tpu.memref_slice %arg5[%add3A_355, %dma_start3A_359] : memref<200x128xi32, #tpu.memory_space<vmem>> -> memref<1x128xi32, #tpu.memory_space<vmem>>
        %dma_start3A_361 = tpu.memref_squeeze %dma_start3A_360 : memref<1x128xi32, #tpu.memory_space<vmem>> -> memref<128xi32, #tpu.memory_space<vmem>>
        %dma_start3A_362 = arith.constant 0 : i32
        %dma_start3A_363 = arith.constant 0 : i32
        %dma_start3A_364 = tpu.memref_slice %arg3[%dma_start3A_362, %dma_start3A_363] : memref<1000000x32xf32, #tpu.memory_space<hbm>> -> memref<1000000x32xf32, #tpu.memory_space<hbm>>
        tpu.enqueue_indirect_dma source(%dma_start3A_364 : memref<1000000x32xf32, #tpu.memory_space<hbm>>) target(%dma_start3A_358 : memref<128x32xf32, #tpu.memory_space<vmem>>) offsets(%dma_start3A_361 : memref<128xi32, #tpu.memory_space<vmem>>) semaphore(%arg8 : memref<!tpu.dma_semaphore, #tpu.memory_space<semaphore_mem>>)
        %mul3A_365 = arith.constant 10 : i32
        %mul3A_366 = arith.muli %add3A_312, %mul3A_365 : i32
        %add3A_367 = arith.constant 4 : i32
        %add3A_368 = arith.addi %mul3A_366, %add3A_367 : i32
        %dma_start3A_369 = arith.constant 512 : i32
        %dma_start3A_370 = arith.constant 0 : i32
        %dma_start3A_371 = tpu.memref_slice %arg6[%dma_start3A_369, %dma_start3A_370] : memref<1280x32xf32, #tpu.memory_space<vmem>> -> memref<128x32xf32, #tpu.memory_space<vmem>>
        %dma_start3A_372 = arith.constant 0 : i32
        %dma_start3A_373 = tpu.memref_slice %arg5[%add3A_368, %dma_start3A_372] : memref<200x128xi32, #tpu.memory_space<vmem>> -> memref<1x128xi32, #tpu.memory_space<vmem>>
        %dma_start3A_374 = tpu.memref_squeeze %dma_start3A_373 : memref<1x128xi32, #tpu.memory_space<vmem>> -> memref<128xi32, #tpu.memory_space<vmem>>
        %dma_start3A_375 = arith.constant 0 : i32
        %dma_start3A_376 = arith.constant 0 : i32
        %dma_start3A_377 = tpu.memref_slice %arg3[%dma_start3A_375, %dma_start3A_376] : memref<1000000x32xf32, #tpu.memory_space<hbm>> -> memref<1000000x32xf32, #tpu.memory_space<hbm>>
        tpu.enqueue_indirect_dma source(%dma_start3A_377 : memref<1000000x32xf32, #tpu.memory_space<hbm>>) target(%dma_start3A_371 : memref<128x32xf32, #tpu.memory_space<vmem>>) offsets(%dma_start3A_374 : memref<128xi32, #tpu.memory_space<vmem>>) semaphore(%arg8 : memref<!tpu.dma_semaphore, #tpu.memory_space<semaphore_mem>>)
        %mul3A_378 = arith.constant 10 : i32
        %mul3A_379 = arith.muli %add3A_312, %mul3A_378 : i32
        %add3A_380 = arith.constant 5 : i32
        %add3A_381 = arith.addi %mul3A_379, %add3A_380 : i32
        %dma_start3A_382 = arith.constant 640 : i32
        %dma_start3A_383 = arith.constant 0 : i32
        %dma_start3A_384 = tpu.memref_slice %arg6[%dma_start3A_382, %dma_start3A_383] : memref<1280x32xf32, #tpu.memory_space<vmem>> -> memref<128x32xf32, #tpu.memory_space<vmem>>
        %dma_start3A_385 = arith.constant 0 : i32
        %dma_start3A_386 = tpu.memref_slice %arg5[%add3A_381, %dma_start3A_385] : memref<200x128xi32, #tpu.memory_space<vmem>> -> memref<1x128xi32, #tpu.memory_space<vmem>>
        %dma_start3A_387 = tpu.memref_squeeze %dma_start3A_386 : memref<1x128xi32, #tpu.memory_space<vmem>> -> memref<128xi32, #tpu.memory_space<vmem>>
        %dma_start3A_388 = arith.constant 0 : i32
        %dma_start3A_389 = arith.constant 0 : i32
        %dma_start3A_390 = tpu.memref_slice %arg3[%dma_start3A_388, %dma_start3A_389] : memref<1000000x32xf32, #tpu.memory_space<hbm>> -> memref<1000000x32xf32, #tpu.memory_space<hbm>>
        tpu.enqueue_indirect_dma source(%dma_start3A_390 : memref<1000000x32xf32, #tpu.memory_space<hbm>>) target(%dma_start3A_384 : memref<128x32xf32, #tpu.memory_space<vmem>>) offsets(%dma_start3A_387 : memref<128xi32, #tpu.memory_space<vmem>>) semaphore(%arg8 : memref<!tpu.dma_semaphore, #tpu.memory_space<semaphore_mem>>)
        %mul3A_391 = arith.constant 10 : i32
        %mul3A_392 = arith.muli %add3A_312, %mul3A_391 : i32
        %add3A_393 = arith.constant 6 : i32
        %add3A_394 = arith.addi %mul3A_392, %add3A_393 : i32
        %dma_start3A_395 = arith.constant 768 : i32
        %dma_start3A_396 = arith.constant 0 : i32
        %dma_start3A_397 = tpu.memref_slice %arg6[%dma_start3A_395, %dma_start3A_396] : memref<1280x32xf32, #tpu.memory_space<vmem>> -> memref<128x32xf32, #tpu.memory_space<vmem>>
        %dma_start3A_398 = arith.constant 0 : i32
        %dma_start3A_399 = tpu.memref_slice %arg5[%add3A_394, %dma_start3A_398] : memref<200x128xi32, #tpu.memory_space<vmem>> -> memref<1x128xi32, #tpu.memory_space<vmem>>
        %dma_start3A_400 = tpu.memref_squeeze %dma_start3A_399 : memref<1x128xi32, #tpu.memory_space<vmem>> -> memref<128xi32, #tpu.memory_space<vmem>>
        %dma_start3A_401 = arith.constant 0 : i32
        %dma_start3A_402 = arith.constant 0 : i32
        %dma_start3A_403 = tpu.memref_slice %arg3[%dma_start3A_401, %dma_start3A_402] : memref<1000000x32xf32, #tpu.memory_space<hbm>> -> memref<1000000x32xf32, #tpu.memory_space<hbm>>
        tpu.enqueue_indirect_dma source(%dma_start3A_403 : memref<1000000x32xf32, #tpu.memory_space<hbm>>) target(%dma_start3A_397 : memref<128x32xf32, #tpu.memory_space<vmem>>) offsets(%dma_start3A_400 : memref<128xi32, #tpu.memory_space<vmem>>) semaphore(%arg8 : memref<!tpu.dma_semaphore, #tpu.memory_space<semaphore_mem>>)
        %mul3A_404 = arith.constant 10 : i32
        %mul3A_405 = arith.muli %add3A_312, %mul3A_404 : i32
        %add3A_406 = arith.constant 7 : i32
        %add3A_407 = arith.addi %mul3A_405, %add3A_406 : i32
        %dma_start3A_408 = arith.constant 896 : i32
        %dma_start3A_409 = arith.constant 0 : i32
        %dma_start3A_410 = tpu.memref_slice %arg6[%dma_start3A_408, %dma_start3A_409] : memref<1280x32xf32, #tpu.memory_space<vmem>> -> memref<128x32xf32, #tpu.memory_space<vmem>>
        %dma_start3A_411 = arith.constant 0 : i32
        %dma_start3A_412 = tpu.memref_slice %arg5[%add3A_407, %dma_start3A_411] : memref<200x128xi32, #tpu.memory_space<vmem>> -> memref<1x128xi32, #tpu.memory_space<vmem>>
        %dma_start3A_413 = tpu.memref_squeeze %dma_start3A_412 : memref<1x128xi32, #tpu.memory_space<vmem>> -> memref<128xi32, #tpu.memory_space<vmem>>
        %dma_start3A_414 = arith.constant 0 : i32
        %dma_start3A_415 = arith.constant 0 : i32
        %dma_start3A_416 = tpu.memref_slice %arg3[%dma_start3A_414, %dma_start3A_415] : memref<1000000x32xf32, #tpu.memory_space<hbm>> -> memref<1000000x32xf32, #tpu.memory_space<hbm>>
        tpu.enqueue_indirect_dma source(%dma_start3A_416 : memref<1000000x32xf32, #tpu.memory_space<hbm>>) target(%dma_start3A_410 : memref<128x32xf32, #tpu.memory_space<vmem>>) offsets(%dma_start3A_413 : memref<128xi32, #tpu.memory_space<vmem>>) semaphore(%arg8 : memref<!tpu.dma_semaphore, #tpu.memory_space<semaphore_mem>>)
        %mul3A_417 = arith.constant 10 : i32
        %mul3A_418 = arith.muli %add3A_312, %mul3A_417 : i32
        %add3A_419 = arith.constant 8 : i32
        %add3A_420 = arith.addi %mul3A_418, %add3A_419 : i32
        %dma_start3A_421 = arith.constant 1024 : i32
        %dma_start3A_422 = arith.constant 0 : i32
        %dma_start3A_423 = tpu.memref_slice %arg6[%dma_start3A_421, %dma_start3A_422] : memref<1280x32xf32, #tpu.memory_space<vmem>> -> memref<128x32xf32, #tpu.memory_space<vmem>>
        %dma_start3A_424 = arith.constant 0 : i32
        %dma_start3A_425 = tpu.memref_slice %arg5[%add3A_420, %dma_start3A_424] : memref<200x128xi32, #tpu.memory_space<vmem>> -> memref<1x128xi32, #tpu.memory_space<vmem>>
        %dma_start3A_426 = tpu.memref_squeeze %dma_start3A_425 : memref<1x128xi32, #tpu.memory_space<vmem>> -> memref<128xi32, #tpu.memory_space<vmem>>
        %dma_start3A_427 = arith.constant 0 : i32
        %dma_start3A_428 = arith.constant 0 : i32
        %dma_start3A_429 = tpu.memref_slice %arg3[%dma_start3A_427, %dma_start3A_428] : memref<1000000x32xf32, #tpu.memory_space<hbm>> -> memref<1000000x32xf32, #tpu.memory_space<hbm>>
        tpu.enqueue_indirect_dma source(%dma_start3A_429 : memref<1000000x32xf32, #tpu.memory_space<hbm>>) target(%dma_start3A_423 : memref<128x32xf32, #tpu.memory_space<vmem>>) offsets(%dma_start3A_426 : memref<128xi32, #tpu.memory_space<vmem>>) semaphore(%arg8 : memref<!tpu.dma_semaphore, #tpu.memory_space<semaphore_mem>>)
        %mul3A_430 = arith.constant 10 : i32
        %mul3A_431 = arith.muli %add3A_312, %mul3A_430 : i32
        %add3A_432 = arith.constant 9 : i32
        %add3A_433 = arith.addi %mul3A_431, %add3A_432 : i32
        %dma_start3A_434 = arith.constant 1152 : i32
        %dma_start3A_435 = arith.constant 0 : i32
        %dma_start3A_436 = tpu.memref_slice %arg6[%dma_start3A_434, %dma_start3A_435] : memref<1280x32xf32, #tpu.memory_space<vmem>> -> memref<128x32xf32, #tpu.memory_space<vmem>>
        %dma_start3A_437 = arith.constant 0 : i32
        %dma_start3A_438 = tpu.memref_slice %arg5[%add3A_433, %dma_start3A_437] : memref<200x128xi32, #tpu.memory_space<vmem>> -> memref<1x128xi32, #tpu.memory_space<vmem>>
        %dma_start3A_439 = tpu.memref_squeeze %dma_start3A_438 : memref<1x128xi32, #tpu.memory_space<vmem>> -> memref<128xi32, #tpu.memory_space<vmem>>
        %dma_start3A_440 = arith.constant 0 : i32
        %dma_start3A_441 = arith.constant 0 : i32
        %dma_start3A_442 = tpu.memref_slice %arg3[%dma_start3A_440, %dma_start3A_441] : memref<1000000x32xf32, #tpu.memory_space<hbm>> -> memref<1000000x32xf32, #tpu.memory_space<hbm>>
        tpu.enqueue_indirect_dma source(%dma_start3A_442 : memref<1000000x32xf32, #tpu.memory_space<hbm>>) target(%dma_start3A_436 : memref<128x32xf32, #tpu.memory_space<vmem>>) offsets(%dma_start3A_439 : memref<128xi32, #tpu.memory_space<vmem>>) semaphore(%arg8 : memref<!tpu.dma_semaphore, #tpu.memory_space<semaphore_mem>>)
      } else {
      }
      %dma_wait3A_291 = arith.constant 0 : i32
      %dma_wait3A_292 = arith.constant 0 : i32
      %dma_wait3A_293 = tpu.memref_slice %arg3[%dma_wait3A_291, %dma_wait3A_292] : memref<1000000x32xf32, #tpu.memory_space<hbm>> -> memref<1280x32xf32, #tpu.memory_space<hbm>>
      %dma_wait3A_294 = arith.constant 0 : i32
      %dma_wait3A_295 = arith.constant 0 : i32
      %dma_wait3A_296 = tpu.memref_slice %arg3[%dma_wait3A_294, %dma_wait3A_295] : memref<1000000x32xf32, #tpu.memory_space<hbm>> -> memref<1280x32xf32, #tpu.memory_space<hbm>>
      tpu.wait_dma2 semaphore(%arg9 : memref<!tpu.dma_semaphore, #tpu.memory_space<semaphore_mem>>) src(%dma_wait3A_296 : memref<1280x32xf32, #tpu.memory_space<hbm>>) dst(%arg7 : memref<1280x32xf32, #tpu.memory_space<vmem>>)
      %add3A_297 = arith.constant 1 : i32
      %add3A_298 = arith.addi %multiple_of3A_136, %add3A_297 : i32
      %mul3A_299 = arith.constant 1280 : i32
      %mul3A_300 = arith.muli %add3A_298, %mul3A_299 : i32
      %add3A_301 = arith.addi %multiple_of3A, %mul3A_300 : i32
      %multiple_of3A_302 = tpu.assume_multiple %add3A_301, 1280 : i32
      %dma_start3A_303 = arith.constant 0 : i32
      %dma_start3A_304 = tpu.memref_slice %arg4[%multiple_of3A_302, %dma_start3A_303] : memref<819200x32xf32, #tpu.memory_space<hbm>> -> memref<1280x32xf32, #tpu.memory_space<hbm>>
      %dma_start3A_305 = arith.constant 0 : i32
      %dma_start3A_306 = tpu.memref_slice %arg4[%multiple_of3A_302, %dma_start3A_305] : memref<819200x32xf32, #tpu.memory_space<hbm>> -> memref<1280x32xf32, #tpu.memory_space<hbm>>
      tpu.enqueue_dma source(%arg7 : memref<1280x32xf32, #tpu.memory_space<vmem>>) target(%dma_start3A_306 : memref<1280x32xf32, #tpu.memory_space<hbm>>) target_semaphore(%arg11 : memref<!tpu.dma_semaphore, #tpu.memory_space<semaphore_mem>>)
    }
    %scan3A_123 = arith.constant 10 : i32
    %dma_wait3A = arith.constant 0 : i32
    %dma_wait3A_124 = tpu.memref_slice %arg4[%multiple_of3A, %dma_wait3A] : memref<819200x32xf32, #tpu.memory_space<hbm>> -> memref<1280x32xf32, #tpu.memory_space<hbm>>
    %dma_wait3A_125 = arith.constant 0 : i32
    %dma_wait3A_126 = tpu.memref_slice %arg4[%multiple_of3A, %dma_wait3A_125] : memref<819200x32xf32, #tpu.memory_space<hbm>> -> memref<1280x32xf32, #tpu.memory_space<hbm>>
    tpu.wait_dma2 semaphore(%arg10 : memref<!tpu.dma_semaphore, #tpu.memory_space<semaphore_mem>>) src(%arg6 : memref<1280x32xf32, #tpu.memory_space<vmem>>) dst(%dma_wait3A_126 : memref<1280x32xf32, #tpu.memory_space<hbm>>)
    %dma_wait3A_127 = arith.constant 0 : i32
    %dma_wait3A_128 = tpu.memref_slice %arg4[%multiple_of3A, %dma_wait3A_127] : memref<819200x32xf32, #tpu.memory_space<hbm>> -> memref<1280x32xf32, #tpu.memory_space<hbm>>
    %dma_wait3A_129 = arith.constant 0 : i32
    %dma_wait3A_130 = tpu.memref_slice %arg4[%multiple_of3A, %dma_wait3A_129] : memref<819200x32xf32, #tpu.memory_space<hbm>> -> memref<1280x32xf32, #tpu.memory_space<hbm>>
    tpu.wait_dma2 semaphore(%arg11 : memref<!tpu.dma_semaphore, #tpu.memory_space<semaphore_mem>>) src(%arg7 : memref<1280x32xf32, #tpu.memory_space<vmem>>) dst(%dma_wait3A_130 : memref<1280x32xf32, #tpu.memory_space<hbm>>)
    %eq3A = arith.constant 0 : i32
    %eq3A_131 = arith.cmpi eq, %add3A, %eq3A : i32
    %convert_element_type3A = arith.extui %eq3A_131 : i1 to i32
    %cond3A = arith.constant 0 : i32
    %cond3A_132 = arith.cmpi ne, %convert_element_type3A, %cond3A : i32
    scf.if %cond3A_132 {
      %broadcast_in_dim3A = arith.constant 0.000000e+00 : f32
      %broadcast_in_dim3A_133 = vector.broadcast %broadcast_in_dim3A : f32 to vector<16xf32>
      %scan3A_134 = arith.constant 0 : i32
      %scan3A_135 = arith.constant 0 : i32
      %scan3A_136 = arith.constant 200 : i32
      %scan3A_137 = arith.addi %scan3A_135, %scan3A_136 : i32
      %scan3A_138 = arith.constant 1 : i32
      scf.for %scan3A_140 = %scan3A_135 to %scan3A_137 step %scan3A_138  : i32 {
        %swap3A = arith.index_cast %scan3A_140 : i32 to index
        %swap3A_141 = arith.constant 0 : index
        %swap3A_142 = tpu.vector_load %arg6[%swap3A, %swap3A_141] {strides = array<i32>} : memref<1280x32xf32, #tpu.memory_space<vmem>>, vector<1x16xf32>,
        %swap3A_143 = vector.shape_cast %swap3A_142 : vector<1x16xf32> to vector<16xf32>
        %swap3A_144 = vector.shape_cast %broadcast_in_dim3A_133 : vector<16xf32> to vector<1x16xf32>
        tpu.vector_store %arg6[%swap3A, %swap3A_141], %swap3A_144 {strides = array<i32>} : memref<1280x32xf32, #tpu.memory_space<vmem>>, vector<1x16xf32>,
        %swap3A_145 = arith.index_cast %scan3A_140 : i32 to index
        %swap3A_146 = arith.constant 16 : index
        %swap3A_147 = tpu.vector_load %arg6[%swap3A_145, %swap3A_146] {strides = array<i32>} : memref<1280x32xf32, #tpu.memory_space<vmem>>, vector<1x16xf32>,
        %swap3A_148 = vector.shape_cast %swap3A_147 : vector<1x16xf32> to vector<16xf32>
        %swap3A_149 = vector.shape_cast %broadcast_in_dim3A_133 : vector<16xf32> to vector<1x16xf32>
        tpu.vector_store %arg6[%swap3A_145, %swap3A_146], %swap3A_149 {strides = array<i32>} : memref<1280x32xf32, #tpu.memory_space<vmem>>, vector<1x16xf32>,
      }
      %scan3A_139 = arith.constant 200 : i32
      "tpu.region"() ({
        %run_scoped3A = tpu.sem_alloc : memref<!tpu.dma_semaphore, #tpu.memory_space<semaphore_mem>>
        %dma_start3A_140 = arith.constant 0 : i32
        %dma_start3A_141 = arith.constant 0 : i32
        %dma_start3A_142 = tpu.memref_slice %arg6[%dma_start3A_140, %dma_start3A_141] : memref<1280x32xf32, #tpu.memory_space<vmem>> -> memref<200x32xf32, #tpu.memory_space<vmem>>
        %dma_start3A_143 = arith.constant 0 : i32
        %dma_start3A_144 = arith.constant 0 : i32
        %dma_start3A_145 = tpu.memref_slice %arg4[%dma_start3A_143, %dma_start3A_144] : memref<819200x32xf32, #tpu.memory_space<hbm>> -> memref<200x32xf32, #tpu.memory_space<hbm>>
        %dma_start3A_146 = arith.constant 0 : i32
        %dma_start3A_147 = arith.constant 0 : i32
        %dma_start3A_148 = tpu.memref_slice %arg4[%dma_start3A_146, %dma_start3A_147] : memref<819200x32xf32, #tpu.memory_space<hbm>> -> memref<200x32xf32, #tpu.memory_space<hbm>>
        %dma_start3A_149 = arith.constant 0 : i32
        %dma_start3A_150 = arith.constant 0 : i32
        %dma_start3A_151 = tpu.memref_slice %arg6[%dma_start3A_149, %dma_start3A_150] : memref<1280x32xf32, #tpu.memory_space<vmem>> -> memref<200x32xf32, #tpu.memory_space<vmem>>
        tpu.enqueue_dma source(%dma_start3A_151 : memref<200x32xf32, #tpu.memory_space<vmem>>) target(%dma_start3A_148 : memref<200x32xf32, #tpu.memory_space<hbm>>) target_semaphore(%run_scoped3A : memref<!tpu.dma_semaphore, #tpu.memory_space<semaphore_mem>>)
        %dma_wait3A_152 = arith.constant 0 : i32
        %dma_wait3A_153 = arith.constant 0 : i32
        %dma_wait3A_154 = tpu.memref_slice %arg6[%dma_wait3A_152, %dma_wait3A_153] : memref<1280x32xf32, #tpu.memory_space<vmem>> -> memref<200x32xf32, #tpu.memory_space<vmem>>
        %dma_wait3A_155 = arith.constant 0 : i32
        %dma_wait3A_156 = arith.constant 0 : i32
        %dma_wait3A_157 = tpu.memref_slice %arg4[%dma_wait3A_155, %dma_wait3A_156] : memref<819200x32xf32, #tpu.memory_space<hbm>> -> memref<200x32xf32, #tpu.memory_space<hbm>>
        %dma_wait3A_158 = arith.constant 0 : i32
        %dma_wait3A_159 = arith.constant 0 : i32
        %dma_wait3A_160 = tpu.memref_slice %arg4[%dma_wait3A_158, %dma_wait3A_159] : memref<819200x32xf32, #tpu.memory_space<hbm>> -> memref<200x32xf32, #tpu.memory_space<hbm>>
        %dma_wait3A_161 = arith.constant 0 : i32
        %dma_wait3A_162 = arith.constant 0 : i32
        %dma_wait3A_163 = tpu.memref_slice %arg6[%dma_wait3A_161, %dma_wait3A_162] : memref<1280x32xf32, #tpu.memory_space<vmem>> -> memref<200x32xf32, #tpu.memory_space<vmem>>
        tpu.wait_dma2 semaphore(%run_scoped3A : memref<!tpu.dma_semaphore, #tpu.memory_space<semaphore_mem>>) src(%dma_wait3A_163 : memref<200x32xf32, #tpu.memory_space<vmem>>) dst(%dma_wait3A_160 : memref<200x32xf32, #tpu.memory_space<hbm>>)
        tpu.yield
      }) : () -> ()
    } else {
    }
    return
  }
}

</mosaic_0001>

<sc_bundles>
// kernel: _sc_gather.3.cloned.1.call-start
scs
__scs_entry_jumppad:
0x0: {  	(pc) =	sbr.rel $0x88, $3  }
0x1: {  	(tag) =	ssettag $0x0;
	lr =	simm.s32 $0x1  }
0x2: {  	[smem:$0x3F9F] =	sst lr;
	_ =	strace $0xD0000000  }
0x3: {  	_ = 	snop  }
0x4: {  	_ = 	snop  }
0x5: {  	_ = 	snop  }
0x6: {  	_ = 	snop  }
0x7: {  	_ = 	snop  }
__scs_overlays_trampoline_lowered:
0x8: {  	[smem:$0x3FAE] =	sst s0  }
0x9: {  	[smem:$0x3FAF] =	sst s1  }
0xa: {  	[smem:$0x3FB0] =	sst s2  }
0xb: {  	[smem:$0x3FB1] =	sst s3  }
0xc: {  	[smem:$0x3FB2] =	sst s4  }
0xd: {  	[smem:$0x3FB3] =	sst s5  }
0xe: {  	[smem:$0x3FB4] =	sst s6  }
0xf: {  	[smem:$0x3FB5] =	sst s7  }
0x10: {  	[smem:$0x3FB6] =	sst s8  }
0x11: {  	[smem:$0x3FB7] =	sst s9;
	s0 =	simm.s32 @!p0 $0x0  }
0x12: {  	s1 =	sld [smem:$0x3F9D];
	s0 =	simm.s32 @p0 $0x1  }
0x13: {  	[smem:$0x3FB8] =	sst s0;
	s0 =	simm.s32 @!p1 $0x0  }
0x14: {  	s2 =	sld [smem:$0x3F9C];
	s0 =	simm.s32 @p1 $0x1  }
0x15: {  	[smem:$0x3FB9] =	sst s0;
	s0 =	simm.s32 @!p2 $0x0  }
0x16: {  	s3 =	sld [smem:$0x3FDB];
	s0 =	simm.s32 @p2 $0x1  }
0x17: {  	s4 =	simm.s32 $0x1BF5;
	[smem:$0x3FBB] =	sst s0  }
0x18: {  	s0 =	sld [smem:$0x3F9E];
	_ =	swait.ge [sflag:s4], $0x0  }
0x19: {  	s7 =	sld [smem:$0x3F9F]  }
0x1a: {  	s8 =	sadd.s32 $0xFFFFE003, lr  }
0x1b: {  	s9 =	sadd.s32 $0xFFFFFEF7, lr;
	s5 =	simm.s32 $0xFFFFFFFF;
	p2 =	slt.u32 s8, $0xFFFFF086  }
0x1c: {  	p1 =	slt.u32 s9, $0xF7A;
	s5 =	simm.s32 @!p2 $0x0  }
0x1d: {  	s5 =	simm.s32 @p1 $0x1;
	p0 =	seq.s32 s7, s2  }
0x1e: {  	s7 =	smul.u32 @!p0 $0xF7A, s2;
	p2 =	seq.s32 @!p0 s5, $0x0  }
0x1f: {  	s9 =	smul.u32 $0xF7A, s1;
	s8 =	simm.s32 @!p0 $0x1BF5;
	p2 =	por !p2, p0  }
0x20: {  	[sflag:s8] =	ssyncset.s32 @!p0 $0xFFFFF086;
	s6 =	sadd.s32 @!p0 s3, s7;
	s7 =	simm.s32 @!p0 $0x108  }
0x21: {  	s3 =	sadd.s32 s3, s9;
	s6 =	sadd.s32 @!p0 $0x88, s6;
	s7 =	simm.s32 @p2 $0x1082  }
0x22: {  	[simem:s7], [sflag:s8] =	dma.local @!p0 [hbm:s6], $0xF7A  }
0x23: {  	s9 =	sor.u32 $0xD0000000, s2;
	s6 =	simm.s32 $0x108;
	_ =	swait.ge @!p0 [sflag:s8], $0x0  }
0x24: {  	s3 =	sadd.s32 $0x88, s3;
	s6 =	simm.s32 @!p1 $0x1082;
	[sflag:s4] =	ssyncset.s32 $0xFFFFF086  }
0x25: {  	[simem:s6], [sflag:s4] =	dma.local [hbm:s3], $0xF7A  }
0x26: {  	[smem:$0x3F9F] =	sst s1;
	(tag) =	ssettag s2;
	_ =	strace s9  }
0x27: {  	s1 =	sld [smem:$0x3FAF]  }
0x28: {  	s2 =	sld [smem:$0x3FB0]  }
0x29: {  	s4 =	sld [smem:$0x3FB2]  }
0x2a: {  	p0 =	seq.s32 s5, $0x0;
	s5 =	sld [smem:$0x3FB3]  }
0x2b: {  	s6 =	sld [smem:$0x3FB4]  }
0x2c: {  	s7 =	sld [smem:$0x3FB5]  }
0x2d: {  	s3 =	simm.s32 $0x108;
	s8 =	sld [smem:$0x3FB6]  }
0x2e: {  	s3 =	simm.s32 @!p0 $0x1082;
	s9 =	sld [smem:$0x3FB7]  }
0x2f: {  	lr =	sadd.s32 s0, s3;
	s0 =	sld [smem:$0x3FAE]  }
0x30: {  	s3 =	sld [smem:$0x3FB1]  }
0x31: {  	[smem:$0x3FBA] =	sst s10  }
0x32: {  	s10 =	sld [smem:$0x3FB8];
	_ =	sdelay $0x3  }
0x33: {  	p0 =	seq.s32 s10, $0x1;
	s10 =	sld [smem:$0x3FBA];
	_ =	sdelay $0x3  }
0x34: {  	[smem:$0x3FBA] =	sst s10  }
0x35: {  	s10 =	sld [smem:$0x3FB9];
	_ =	sdelay $0x3  }
0x36: {  	p1 =	seq.s32 s10, $0x1;
	s10 =	sld [smem:$0x3FBA];
	_ =	sdelay $0x3  }
0x37: {  	[smem:$0x3FBA] =	sst s10  }
0x38: {  	s10 =	sld [smem:$0x3FBB]  }
0x39: {  	_ = 	snop;
	(pc) =	sbr.ind lr, $3  }
0x3a: {  	_ = 	snop  }
0x3b: {  	_ = 	snop  }
0x3c: {  	p2 =	seq.s32 s10, $0x1;
	s10 =	sld [smem:$0x3FBA]  }
0x3d: {  	_ =	shalt  }
0x3e: {  	_ =	shalt  }
0x3f: {  	_ =	shalt  }
0x40: {  	_ =	shalt  }
0x41: {  	_ =	shalt  }
0x42: {  	_ =	shalt  }
0x43: {  	_ =	shalt  }
0x44: {  	_ =	shalt  }
0x45: {  	_ =	shalt  }
0x46: {  	_ =	shalt  }
0x47: {  	_ =	shalt  }
0x48: {  	_ =	shalt  }
0x49: {  	_ =	shalt  }
0x4a: {  	_ =	shalt  }
0x4b: {  	_ =	shalt  }
0x4c: {  	_ =	shalt  }
0x4d: {  	_ =	shalt  }
0x4e: {  	_ =	shalt  }
0x4f: {  	_ =	shalt  }
0x50: {  	_ =	shalt  }
0x51: {  	_ =	shalt  }
0x52: {  	_ =	shalt  }
0x53: {  	_ =	shalt  }
0x54: {  	_ =	shalt  }
0x55: {  	_ =	shalt  }
0x56: {  	_ =	shalt  }
0x57: {  	_ =	shalt  }
0x58: {  	_ =	shalt  }
0x59: {  	_ =	shalt  }
0x5a: {  	_ =	shalt  }
0x5b: {  	_ =	shalt  }
0x5c: {  	_ =	shalt  }
0x5d: {  	_ =	shalt  }
0x5e: {  	_ =	shalt  }
0x5f: {  	_ =	shalt  }
0x60: {  	_ =	shalt  }
0x61: {  	_ =	shalt  }
0x62: {  	_ =	shalt  }
0x63: {  	_ =	shalt  }
0x64: {  	_ =	shalt  }
0x65: {  	_ =	shalt  }
0x66: {  	_ =	shalt  }
0x67: {  	_ =	shalt  }
0x68: {  	_ =	shalt  }
0x69: {  	_ =	shalt  }
0x6a: {  	_ =	shalt  }
0x6b: {  	_ =	shalt  }
0x6c: {  	_ =	shalt  }
0x6d: {  	_ =	shalt  }
0x6e: {  	_ =	shalt  }
0x6f: {  	_ =	shalt  }
0x70: {  	_ =	shalt  }
0x71: {  	_ =	shalt  }
0x72: {  	_ =	shalt  }
0x73: {  	_ =	shalt  }
0x74: {  	_ =	shalt  }
0x75: {  	_ =	shalt  }
0x76: {  	_ =	shalt  }
0x77: {  	_ =	shalt  }
0x78: {  	_ =	shalt  }
0x79: {  	_ =	shalt  }
0x7a: {  	_ =	shalt  }
0x7b: {  	_ =	shalt  }
0x7c: {  	_ =	shalt  }
0x7d: {  	_ =	shalt  }
0x7e: {  	_ =	shalt  }
0x7f: {  	_ =	shalt  }
0x80: {  	_ =	shalt  }
0x81: {  	_ =	shalt  }
0x82: {  	_ =	shalt  }
0x83: {  	_ =	shalt  }
0x84: {  	_ =	shalt  }
0x85: {  	_ =	shalt  }
0x86: {  	_ =	shalt  }
0x87: {  	_ =	shalt  }
.Lfunc_end0:
.L_simem_size_0:
called_computation.1_lowered:
.L_overlay_start_0:
0x88: {  	s2 =	sld [smem:$0x3FD9]  }
0x89: {  	s3 =	sld [smem:$0x3FFE];
	_ =	sdelay $0x1  }
0x8a: {  	s1 =	srdreg.scid  }
0x8b: {  	s0 =	sand.u32 $0x1, s1  }
0x8c: {  	s17 =	sshll.u32 s0, $0xA;
	s2 =	sadd.s32 s3, s2  }
0x8d: {  	s2 =	sadd.s32 s2, s17  }
0x8e: {  	[smem:$0x3FC6] =	sst s2  }
0x8f: {  	_ = 	snop  }
0x90: {  	s2 =	sld [smem:$0x3FC9]  }
0x91: {  	s18 =	sld [smem:$0x3FD0];
	(tm) =	ssettm $0x1  }
0x92: {  	s4 =	sld [smem:$0x3FFB];
	_ =	sdelay $0x3  }
0x93: {  	_ =	strace s4  }
0x94: {  	s4 =	sld [smem:$0x3FFC];
	_ =	sdelay $0x3  }
0x95: {  	_ =	strace s4  }
0x96: {  	s4 =	sld [smem:$0x3FFD];
	_ =	sdelay $0x3  }
0x97: {  	_ =	strace s4  }
0x98: {  	_ =	strace $0x8FFFFFFF  }
0x99: {  	s19 =	sld [smem:$0x3FDB];
	_ =	sdelay $0x1  }
0x9a: {  	s5 =	simm.s32 $_scs_section_size  }
0x9b: {  	s6 =	simm.s32 $_size__tile_overlayer_lowered;
	s7 =	simm.s32 $_tile_overlayer_lowered  }
0x9c: {  	s22 =	simm.s32 $0x1BFF;
	s21 =	sshll.u32 s7, $0x1;
	s4 =	sadd.s32 s5, s19  }
0x9d: {  	s8 =	simm.s32 $0x0;
	s20 =	sshll.u32 s6, $0x1;
	s6 =	sadd.s32 s21, s4  }
0x9e: {  	[timem:s8], [sflag:s22] =	dma.local [hbm:s6], s20  }
0x9f: {  	_ =	swait.ge [sflag:s22], s20  }
0xa0: {  	s5 =	ssub.s32 $0x0, s20;
	[sflag:s22] =	ssyncset.done $0x0  }
0xa1: {  	[sflag:s22] =	ssyncadd.s32 s5;
	_ =	sdelay $0x1  }
0xa2: {  	s23 =	simm.s32 $0x1B8B  }
0xa3: {  	_ =	swait.ge [sflag:s23], $0x1  }
0xa4: {  	[sflag:s23] =	ssyncset.done $0x0  }
0xa5: {  	s25 =	simm.s32 $0x1B8E;
	s24 =	sld [smem:$0x3FFE];
	[sflag:s23] =	ssyncadd.s32 $0xFFFFFFFF  }
0xa6: {  	s26 =	simm.s32 $execute0_lowered;
	[smem:$0x3FD2] =	sst s25  }
0xa7: {  	s6 =	sshll.u32 s26, $0x1;
	_ =	strace $0x80000046;
	[dreg:$0x1] =	wrdreg $0xFFFFFFFF  }
0xa8: {  	s28 =	simm.s32 $_size_execute0_lowered;
	s4 =	sadd.s32 s4, s6;
	[dreg:$0x0] =	wrdreg $0x0  }
0xa9: {  	s6 =	sshll.u32 s28, $0x1;
	[dreg:$0x2] =	wrdreg s4  }
0xaa: {  	[dreg:$0x3] =	wrdreg s6  }
0xab: {  	[dreg:$0x4] =	wrdreg $0xC0  }
0xac: {  	_ =	task [dreg:s8], $0x5FFFF  }
0xad: {  	[dreg:$0x1] =	wrdreg $0xFFFFFFFF  }
0xae: {  	[dreg:$0x0] =	wrdreg $0x60  }
0xaf: {  	[dreg:$0x2] =	wrdreg s2  }
0xb0: {  	[dreg:$0x3] =	wrdreg s24  }
0xb1: {  	[dreg:$0x4] =	wrdreg s18  }
0xb2: {  	[dreg:$0x5] =	wrdreg $0x9  }
0xb3: {  	_ =	task.clear_ibuf [dreg:s8], $0x6FFFF;
	_ =	strace $0x90000046  }
0xb4: {  	s29 =	simm.s32 $0x9;
	_ =	strace $0x80000048  }
0xb5: {  	_ =	swait.ge [sflag:s29], $0x1  }
0xb6: {  	[sflag:s29] =	ssyncadd.s32 $0xFFFFFFFF  }
0xb7: {  	_ =	strace $0x90000048  }
0xb8: {  	_ =	sfence  }
0xb9: {  	s30 =	sld [smem:$0x0];
	_ =	sdelay $0x2  }
0xba: {  	s31 =	sshll.u32 s1, $0xD;
	s1 =	sshrl.u32 s1, $0x2  }
0xbb: {  	s3 =	sand.u32 $0x4000, s31;
	s1 =	sadd.s32 s1, s30  }
0xbc: {  	s0 =	sor.u32 s3, s0;
	s1 =	sshll.u32 s1, $0x11  }
0xbd: {  	s0 =	sor.u32 s1, s0  }
0xbe: {  	s0 =	sadd.s32 $0x8F2B, s0  }
0xbf: {  	[sflag:s0] =	ssyncadd.remote.s32 $0x1  }
0xc0: {  	_ =	sfence.sel $0xFFFF  }
0xc1: {  	[dreg:$0x0] =	wrdreg $0xFFFFFFFF;
	(pc) =	sbr.abs _section_cstart, $3  }
0xc2: {  	[dreg:$0x1] =	wrdreg $0xFFFFFFFF  }
0xc3: {  	_ =	task.clear_ibuf [dreg:s8], $0x2FFFF;
	_ =	strace $0x9FFFFFFF  }
0xc4: {  	(tm) =	ssettm $0x7FFFFFFF  }
0xc5: {  	_ =	shalt  }
tec
execute0_lowered:
.L_overlay_start_1:
0x0: {  	(tag) =	ssettag $0x1  }
0x1: {  	s0 =	rddreg [dreg:$0x0];
	s1 =	srdreg.scid  }
0x2: {  	s10 =	stileid.u32;
	s2 =	rddreg [dreg:$0x1]  }
0x3: {  	s12 =	rddreg [dreg:$0x2];
	s13 =	simm.s32 $0x6400;
	s14 =	simm.s32 $0x7400  }
0x4: {  	s29 =	simm.s32 $0xE400;
	s31 =	simm.s32 $0xF400;
	s9 =	smul.u32 $0x32000, s10  }
0x5: {  	s1 =	sand.u32 $0x1, s1;
	s3 =	sshll.u32 s10, $0x1;
	s10 =	smul.u32 $0xC800, s10  }
0x6: {  	s15 =	simm.s32 $0x11400;
	s28 =	simm.s32 $0x14400;
	s11 =	smul.u32 $0x6400, s1  }
0x7: {  	s30 =	simm.s32 $0x19400;
	s5 =	sor.u32 s1, s3;
	s19 =	smul.u32 $0x19000, s1  }
0x8: {  	s4 =	sadd.s32 $0xF42C00, s2;
	s3 =	simm.s32 $0x0;
	s6 =	smul.u32 $0x6400, s5  }
0x9: {  	s8 =	ssub.s32 $0x2, s1;
	[smem:$0x7FF] =	sst s3;
	s7 =	smul.u32 $0x19000, s5  }
0xa: {  	s16 =	sshrl.u32 s8, $0x1;
	s20 =	sadd.s32 s9, s12;
	p0 =	sne.s32 s5, $0x0  }
0xb: {  	s5 =	simm.s32 $0x3;
	s9 =	simm.s32 $0x0;
	_ =	strace $0x80000047  }
0xc: {  	s2 =	ssub.s32 s8, s16;
	s21 =	sadd.s32 s11, s10;
	s16 =	simm.s32 $0x8400  }
0xd: {  	s8 =	simm.s32 $0x4;
	s17 =	sshrl.u32 s6, $0x3;
	s18 =	smax.u32 s2, $0x1  }
0xe: {  	s7 =	sadd.s32 s12, s7;
	s6 =	sshll.u32 s6, $0x2;
	s22 =	sshll.u32 s21, $0x2  }
0xf: {  	s21 =	simm.s32 $0x1;
	s0 =	sadd.s32 s0, s17;
	[dreg:$0x7] =	wrdreg s18  }
0x10: {  	s23 =	sadd.s32 s12, s6;
	s1 =	sadd.s32 s12, s22;
	s25 =	sadd.s32 $0x16800, s7  }
0x11: {  	[dreg:$0x8] =	wrdreg s7;
	s26 =	sadd.s32 $0x17C00, s7;
	s12 =	simm.s32 $0x80  }
0x12: {  	s18 =	simm.s32 $0x9400;
	s22 =	simm.s32 $0xB400;
	s17 =	simm.s32 $0x16400  }
0x13: {  	s6 =	simm.s32 $0x2;
	[dreg:$0x6] =	wrdreg s0;
	s0 =	sadd.s32 s19, s20  }
0x14: {  	s2 =	sadd.s32 $0x1400, s23;
	s24 =	sadd.s32 $0x3C00, s1;
	[dreg:$0xa] =	wrdreg s25  }
.Ltmp0:
0x15: {  	[dreg:$0xb] =	wrdreg s26;
	s20 =	simm.s32 $0xA400;
	(pc) =	sbr.rel .LBB2_1-.Ltmp0, $4  }
0x16: {  	s26 =	simm.s32 $0xD400;
	s19 =	simm.s32 $0x12400;
	s23 =	simm.s32 $0x13400  }
0x17: {  	s1 =	simm.s32 $0x15400;
	s25 =	simm.s32 $0x17400;
	[dreg:$0x9] =	wrdreg s2  }
0x18: {  	s0 =	sadd.s32 $0x2800, s0;
	[dreg:$0x5] =	wrdreg s24;
	s24 =	simm.s32 $0xC400  }
0x19: {  	v0 =	vimm.f32 $0.0e+00;
	s2 =	simm.s32 $0x18400;
	[dreg:$0x4] =	wrdreg s0;
	s0 =	simm.s32 $0x10400  }
.LBB2_6:
0x1a: {  	[tilespmem:s10+$0x6400] =	vst v0  }
0x1b: {  	[tilespmem:s10+$0x6410] =	vst v0;
	s7 =	rddreg [dreg:$0x2];
	s11 =	simm.s32 $0x5  }
0x1c: {  	[hbm4b:s7+s3] =	stream.linear.scatter [tilespmem:s13], [sflag:$0x5], $0x1900, $0x38;
	[tilespmem:$0x1A400] =	vst v63  }
0x1d: {  	_ =	swait.ge [sflag:s11], $0x1900  }
0x1e: {  	[sflag:s11] =	ssyncset.done $0x0  }
0x1f: {  	s9 =	rddreg [dreg:$0xc];
	[sflag:s11] =	ssyncadd.s32 $0xFFFFE700  }
.LBB2_7:
0x20: {  	s9 =	sadd.s32 $0x1, s9;
	s7 =	rddreg [dreg:$0x7]  }
0x21: {  	p1 =	sne.s32 s9, s7  }
.Ltmp1:
0x22: {  	_ = 	snop;
	(pc) =	sbr.rel @!p1 .LBB2_8-.Ltmp1, $1  }
0x23: {  	_ =	sdelay $0x3  }
.LBB2_1:
0x24: {  	[dreg:$0xc] =	wrdreg s9  }
0x25: {  	s7 =	rddreg [dreg:$0x6];
	s10 =	simm.s32 $0x5  }
0x26: {  	[tilespmem:s3], [sflag:$0x5] =	stream.linear.gather [hbm4b:s7+s3], $0x6400, $0x38;
	[tilespmem:$0x1A400] =	vst v63  }
0x27: {  	_ =	swait.ge [sflag:s10], $0x6400  }
0x28: {  	[sflag:s10] =	ssyncset.done $0x0  }
0x29: {  	[sflag:s10] =	ssyncadd.s32 $0xFFFF9C00  }
0x2a: {  	[tilespmem:s13], [sflag:$0x1] =	stream.indirect.gather [hbm4b:s4+s12], $0x20, s3, s12, $0xb8;
	[tilespmem:$0x1A400] =	vst v63  }
0x2b: {  	_ = 	snop  }
0x2c: {  	[tilespmem:s14], [sflag:$0x1] =	stream.indirect.gather [hbm4b:s4+s12], $0x20, s12, s12, $0xb8;
	[tilespmem:$0x1A400] =	vst v63  }
0x2d: {  	s11 =	simm.s32 $0x100  }
0x2e: {  	[tilespmem:s16], [sflag:$0x1] =	stream.indirect.gather [hbm4b:s4+s12], $0x20, s11, s12, $0xb8;
	[tilespmem:$0x1A400] =	vst v63  }
0x2f: {  	s9 =	simm.s32 $0x180  }
0x30: {  	[tilespmem:s18], [sflag:$0x1] =	stream.indirect.gather [hbm4b:s4+s12], $0x20, s9, s12, $0xb8;
	[tilespmem:$0x1A400] =	vst v63  }
0x31: {  	s10 =	simm.s32 $0x200  }
0x32: {  	[tilespmem:s20], [sflag:$0x1] =	stream.indirect.gather [hbm4b:s4+s12], $0x20, s10, s12, $0xb8;
	[tilespmem:$0x1A400] =	vst v63  }
0x33: {  	s11 =	simm.s32 $0x280  }
0x34: {  	[tilespmem:s22], [sflag:$0x1] =	stream.indirect.gather [hbm4b:s4+s12], $0x20, s11, s12, $0xb8;
	[tilespmem:$0x1A400] =	vst v63  }
0x35: {  	s9 =	simm.s32 $0x300  }
0x36: {  	[tilespmem:s24], [sflag:$0x1] =	stream.indirect.gather [hbm4b:s4+s12], $0x20, s9, s12, $0xb8;
	[tilespmem:$0x1A400] =	vst v63  }
0x37: {  	s10 =	simm.s32 $0x380  }
0x38: {  	[tilespmem:s26], [sflag:$0x1] =	stream.indirect.gather [hbm4b:s4+s12], $0x20, s10, s12, $0xb8;
	[tilespmem:$0x1A400] =	vst v63  }
0x39: {  	s11 =	simm.s32 $0x400  }
0x3a: {  	[tilespmem:s29], [sflag:$0x1] =	stream.indirect.gather [hbm4b:s4+s12], $0x20, s11, s12, $0xb8;
	[tilespmem:$0x1A400] =	vst v63  }
0x3b: {  	s9 =	simm.s32 $0x480  }
0x3c: {  	[tilespmem:s31], [sflag:$0x1] =	stream.indirect.gather [hbm4b:s4+s12], $0x20, s9, s12, $0xb8;
	[tilespmem:$0x1A400] =	vst v63  }
0x3d: {  	s10 =	simm.s32 $0x500  }
0x3e: {  	[tilespmem:s0], [sflag:$0x2] =	stream.indirect.gather [hbm4b:s4+s12], $0x20, s10, s12, $0xb8;
	[tilespmem:$0x1A400] =	vst v63  }
0x3f: {  	s11 =	simm.s32 $0x580  }
0x40: {  	[tilespmem:s15], [sflag:$0x2] =	stream.indirect.gather [hbm4b:s4+s12], $0x20, s11, s12, $0xb8;
	[tilespmem:$0x1A400] =	vst v63  }
0x41: {  	s9 =	simm.s32 $0x600  }
0x42: {  	[tilespmem:s19], [sflag:$0x2] =	stream.indirect.gather [hbm4b:s4+s12], $0x20, s9, s12, $0xb8;
	[tilespmem:$0x1A400] =	vst v63  }
0x43: {  	s10 =	simm.s32 $0x680  }
0x44: {  	[tilespmem:s23], [sflag:$0x2] =	stream.indirect.gather [hbm4b:s4+s12], $0x20, s10, s12, $0xb8;
	[tilespmem:$0x1A400] =	vst v63  }
0x45: {  	s11 =	simm.s32 $0x700  }
0x46: {  	[tilespmem:s28], [sflag:$0x2] =	stream.indirect.gather [hbm4b:s4+s12], $0x20, s11, s12, $0xb8;
	[tilespmem:$0x1A400] =	vst v63  }
0x47: {  	s9 =	simm.s32 $0x780  }
0x48: {  	[tilespmem:s1], [sflag:$0x2] =	stream.indirect.gather [hbm4b:s4+s12], $0x20, s9, s12, $0xb8;
	[tilespmem:$0x1A400] =	vst v63  }
0x49: {  	s10 =	simm.s32 $0x800  }
0x4a: {  	[tilespmem:s17], [sflag:$0x2] =	stream.indirect.gather [hbm4b:s4+s12], $0x20, s10, s12, $0xb8;
	[tilespmem:$0x1A400] =	vst v63  }
0x4b: {  	s11 =	simm.s32 $0x880  }
0x4c: {  	[tilespmem:s25], [sflag:$0x2] =	stream.indirect.gather [hbm4b:s4+s12], $0x20, s11, s12, $0xb8;
	[tilespmem:$0x1A400] =	vst v63  }
0x4d: {  	s9 =	simm.s32 $0x900  }
0x4e: {  	[tilespmem:s2], [sflag:$0x2] =	stream.indirect.gather [hbm4b:s4+s12], $0x20, s9, s12, $0xb8;
	[tilespmem:$0x1A400] =	vst v63  }
0x4f: {  	s10 =	simm.s32 $0x980  }
0x50: {  	[tilespmem:s30], [sflag:$0x2] =	stream.indirect.gather [hbm4b:s4+s12], $0x20, s10, s12, $0xb8;
	[tilespmem:$0x1A400] =	vst v63  }
0x51: {  	_ =	swait.ge [sflag:s21], $0xA000  }
0x52: {  	[sflag:s21] =	ssyncset.done $0x0  }
0x53: {  	s11 =	rddreg [dreg:$0x8];
	[sflag:s21] =	ssyncadd.s32 $0xFFFF6000  }
0x54: {  	[hbm4b:s11+s3] =	stream.linear.scatter [tilespmem:s13], [sflag:$0x3], $0xA000, $0x38;
	[tilespmem:$0x1A400] =	vst v63  }
0x55: {  	_ =	swait.ge [sflag:s5], $0xA000  }
0x56: {  	[sflag:s5] =	ssyncset.done $0x0  }
0x57: {  	s9 =	simm.s32 $0xA00;
	[sflag:s5] =	ssyncadd.s32 $0xFFFF6000  }
0x58: {  	[tilespmem:s13], [sflag:$0x1] =	stream.indirect.gather [hbm4b:s4+s12], $0x20, s9, s12, $0xb8;
	[tilespmem:$0x1A400] =	vst v63  }
0x59: {  	s10 =	simm.s32 $0xA80  }
0x5a: {  	[tilespmem:s14], [sflag:$0x1] =	stream.indirect.gather [hbm4b:s4+s12], $0x20, s10, s12, $0xb8;
	[tilespmem:$0x1A400] =	vst v63  }
0x5b: {  	s11 =	simm.s32 $0xB00  }
0x5c: {  	[tilespmem:s16], [sflag:$0x1] =	stream.indirect.gather [hbm4b:s4+s12], $0x20, s11, s12, $0xb8;
	[tilespmem:$0x1A400] =	vst v63  }
0x5d: {  	s9 =	simm.s32 $0xB80  }
0x5e: {  	[tilespmem:s18], [sflag:$0x1] =	stream.indirect.gather [hbm4b:s4+s12], $0x20, s9, s12, $0xb8;
	[tilespmem:$0x1A400] =	vst v63  }
0x5f: {  	s10 =	simm.s32 $0xC00  }
0x60: {  	[tilespmem:s20], [sflag:$0x1] =	stream.indirect.gather [hbm4b:s4+s12], $0x20, s10, s12, $0xb8;
	[tilespmem:$0x1A400] =	vst v63  }
0x61: {  	s11 =	simm.s32 $0xC80  }
0x62: {  	[tilespmem:s22], [sflag:$0x1] =	stream.indirect.gather [hbm4b:s4+s12], $0x20, s11, s12, $0xb8;
	[tilespmem:$0x1A400] =	vst v63  }
0x63: {  	s9 =	simm.s32 $0xD00  }
0x64: {  	[tilespmem:s24], [sflag:$0x1] =	stream.indirect.gather [hbm4b:s4+s12], $0x20, s9, s12, $0xb8;
	[tilespmem:$0x1A400] =	vst v63  }
0x65: {  	s10 =	simm.s32 $0xD80  }
0x66: {  	[tilespmem:s26], [sflag:$0x1] =	stream.indirect.gather [hbm4b:s4+s12], $0x20, s10, s12, $0xb8;
	[tilespmem:$0x1A400] =	vst v63  }
0x67: {  	s11 =	simm.s32 $0xE00  }
0x68: {  	[tilespmem:s29], [sflag:$0x1] =	stream.indirect.gather [hbm4b:s4+s12], $0x20, s11, s12, $0xb8;
	[tilespmem:$0x1A400] =	vst v63  }
0x69: {  	s9 =	simm.s32 $0xE80  }
0x6a: {  	[tilespmem:s31], [sflag:$0x1] =	stream.indirect.gather [hbm4b:s4+s12], $0x20, s9, s12, $0xb8;
	[tilespmem:$0x1A400] =	vst v63  }
0x6b: {  	_ =	swait.ge [sflag:s6], $0xA000  }
0x6c: {  	[sflag:s6] =	ssyncset.done $0x0  }
0x6d: {  	s10 =	rddreg [dreg:$0x9];
	[sflag:s6] =	ssyncadd.s32 $0xFFFF6000  }
0x6e: {  	[hbm4b:s10+s3] =	stream.linear.scatter [tilespmem:s0], [sflag:$0x4], $0xA000, $0x38;
	[tilespmem:$0x1A400] =	vst v63  }
0x6f: {  	_ =	swait.ge [sflag:s8], $0xA000  }
0x70: {  	[sflag:s8] =	ssyncset.done $0x0  }
0x71: {  	s11 =	simm.s32 $0xF00;
	[sflag:s8] =	ssyncadd.s32 $0xFFFF6000  }
0x72: {  	[tilespmem:s0], [sflag:$0x2] =	stream.indirect.gather [hbm4b:s4+s12], $0x20, s11, s12, $0xb8;
	[tilespmem:$0x1A400] =	vst v63  }
0x73: {  	s9 =	simm.s32 $0xF80  }
0x74: {  	[tilespmem:s15], [sflag:$0x2] =	stream.indirect.gather [hbm4b:s4+s12], $0x20, s9, s12, $0xb8;
	[tilespmem:$0x1A400] =	vst v63  }
0x75: {  	s10 =	simm.s32 $0x1000  }
0x76: {  	[tilespmem:s19], [sflag:$0x2] =	stream.indirect.gather [hbm4b:s4+s12], $0x20, s10, s12, $0xb8;
	[tilespmem:$0x1A400] =	vst v63  }
0x77: {  	s11 =	simm.s32 $0x1080  }
0x78: {  	[tilespmem:s23], [sflag:$0x2] =	stream.indirect.gather [hbm4b:s4+s12], $0x20, s11, s12, $0xb8;
	[tilespmem:$0x1A400] =	vst v63  }
0x79: {  	s9 =	simm.s32 $0x1100  }
0x7a: {  	[tilespmem:s28], [sflag:$0x2] =	stream.indirect.gather [hbm4b:s4+s12], $0x20, s9, s12, $0xb8;
	[tilespmem:$0x1A400] =	vst v63  }
0x7b: {  	s10 =	simm.s32 $0x1180  }
0x7c: {  	[tilespmem:s1], [sflag:$0x2] =	stream.indirect.gather [hbm4b:s4+s12], $0x20, s10, s12, $0xb8;
	[tilespmem:$0x1A400] =	vst v63  }
0x7d: {  	s11 =	simm.s32 $0x1200  }
0x7e: {  	[tilespmem:s17], [sflag:$0x2] =	stream.indirect.gather [hbm4b:s4+s12], $0x20, s11, s12, $0xb8;
	[tilespmem:$0x1A400] =	vst v63  }
0x7f: {  	s9 =	simm.s32 $0x1280  }
0x80: {  	[tilespmem:s25], [sflag:$0x2] =	stream.indirect.gather [hbm4b:s4+s12], $0x20, s9, s12, $0xb8;
	[tilespmem:$0x1A400] =	vst v63  }
0x81: {  	s10 =	simm.s32 $0x1300  }
0x82: {  	[tilespmem:s2], [sflag:$0x2] =	stream.indirect.gather [hbm4b:s4+s12], $0x20, s10, s12, $0xb8;
	[tilespmem:$0x1A400] =	vst v63  }
0x83: {  	s11 =	simm.s32 $0x1380  }
0x84: {  	[tilespmem:s30], [sflag:$0x2] =	stream.indirect.gather [hbm4b:s4+s12], $0x20, s11, s12, $0xb8;
	[tilespmem:$0x1A400] =	vst v63  }
0x85: {  	_ =	swait.ge [sflag:s21], $0xA000  }
0x86: {  	s9 =	rddreg [dreg:$0x4];
	[sflag:s21] =	ssyncset.done $0x0  }
0x87: {  	[sflag:s21] =	ssyncadd.s32 $0xFFFF6000;
	s7 =	sadd.s32 $0x0, s9  }
0x88: {  	[hbm4b:s7+s3] =	stream.linear.scatter [tilespmem:s13], [sflag:$0x3], $0xA000, $0x38;
	[tilespmem:$0x1A400] =	vst v63  }
0x89: {  	_ =	swait.ge [sflag:s5], $0xA000  }
0x8a: {  	[sflag:s5] =	ssyncset.done $0x0  }
0x8b: {  	s10 =	simm.s32 $0x1400;
	[sflag:s5] =	ssyncadd.s32 $0xFFFF6000  }
0x8c: {  	[tilespmem:s13], [sflag:$0x1] =	stream.indirect.gather [hbm4b:s4+s12], $0x20, s10, s12, $0xb8;
	[tilespmem:$0x1A400] =	vst v63  }
0x8d: {  	s11 =	simm.s32 $0x1480  }
0x8e: {  	[tilespmem:s14], [sflag:$0x1] =	stream.indirect.gather [hbm4b:s4+s12], $0x20, s11, s12, $0xb8;
	[tilespmem:$0x1A400] =	vst v63  }
0x8f: {  	s9 =	simm.s32 $0x1500  }
0x90: {  	[tilespmem:s16], [sflag:$0x1] =	stream.indirect.gather [hbm4b:s4+s12], $0x20, s9, s12, $0xb8;
	[tilespmem:$0x1A400] =	vst v63  }
0x91: {  	s10 =	simm.s32 $0x1580  }
0x92: {  	[tilespmem:s18], [sflag:$0x1] =	stream.indirect.gather [hbm4b:s4+s12], $0x20, s10, s12, $0xb8;
	[tilespmem:$0x1A400] =	vst v63  }
0x93: {  	s11 =	simm.s32 $0x1600  }
0x94: {  	[tilespmem:s20], [sflag:$0x1] =	stream.indirect.gather [hbm4b:s4+s12], $0x20, s11, s12, $0xb8;
	[tilespmem:$0x1A400] =	vst v63  }
0x95: {  	s9 =	simm.s32 $0x1680  }
0x96: {  	[tilespmem:s22], [sflag:$0x1] =	stream.indirect.gather [hbm4b:s4+s12], $0x20, s9, s12, $0xb8;
	[tilespmem:$0x1A400] =	vst v63  }
0x97: {  	s10 =	simm.s32 $0x1700  }
0x98: {  	[tilespmem:s24], [sflag:$0x1] =	stream.indirect.gather [hbm4b:s4+s12], $0x20, s10, s12, $0xb8;
	[tilespmem:$0x1A400] =	vst v63  }
0x99: {  	s11 =	simm.s32 $0x1780  }
0x9a: {  	[tilespmem:s26], [sflag:$0x1] =	stream.indirect.gather [hbm4b:s4+s12], $0x20, s11, s12, $0xb8;
	[tilespmem:$0x1A400] =	vst v63  }
0x9b: {  	s9 =	simm.s32 $0x1800  }
0x9c: {  	[tilespmem:s29], [sflag:$0x1] =	stream.indirect.gather [hbm4b:s4+s12], $0x20, s9, s12, $0xb8;
	[tilespmem:$0x1A400] =	vst v63  }
0x9d: {  	s10 =	simm.s32 $0x1880  }
0x9e: {  	[tilespmem:s31], [sflag:$0x1] =	stream.indirect.gather [hbm4b:s4+s12], $0x20, s10, s12, $0xb8;
	[tilespmem:$0x1A400] =	vst v63  }
0x9f: {  	_ =	swait.ge [sflag:s6], $0xA000  }
0xa0: {  	s11 =	rddreg [dreg:$0x5];
	[sflag:s6] =	ssyncset.done $0x0  }
0xa1: {  	s10 =	simm.s32 $0x2800;
	[sflag:s6] =	ssyncadd.s32 $0xFFFF6000;
	s7 =	sadd.s32 $0x0, s11  }
.LBB2_2:
0xa2: {  	[hbm4b:s7+s3] =	stream.linear.scatter [tilespmem:s0], [sflag:$0x4], $0xA000, $0x38;
	[tilespmem:$0x1A400] =	vst v63  }
0xa3: {  	s7 =	smov.u32 s10;
	_ =	swait.ge [sflag:s8], $0xA000  }
0xa4: {  	s11 =	sshra.s32 s7, $0x2;
	[sflag:s8] =	ssyncset.done $0x0  }
0xa5: {  	s9 =	sadd.s32 $0xF00, s11;
	[sflag:s8] =	ssyncadd.s32 $0xFFFF6000  }
0xa6: {  	[tilespmem:s0], [sflag:$0x2] =	stream.indirect.gather [hbm4b:s4+s12], $0x20, s9, s12, $0xb8;
	[tilespmem:$0x1A400] =	vst v63  }
0xa7: {  	s9 =	sadd.s32 $0xF80, s11  }
0xa8: {  	[tilespmem:s15], [sflag:$0x2] =	stream.indirect.gather [hbm4b:s4+s12], $0x20, s9, s12, $0xb8;
	[tilespmem:$0x1A400] =	vst v63  }
0xa9: {  	s9 =	sadd.s32 $0x1000, s11  }
0xaa: {  	[tilespmem:s19], [sflag:$0x2] =	stream.indirect.gather [hbm4b:s4+s12], $0x20, s9, s12, $0xb8;
	[tilespmem:$0x1A400] =	vst v63  }
0xab: {  	s9 =	sadd.s32 $0x1080, s11  }
0xac: {  	[tilespmem:s23], [sflag:$0x2] =	stream.indirect.gather [hbm4b:s4+s12], $0x20, s9, s12, $0xb8;
	[tilespmem:$0x1A400] =	vst v63  }
0xad: {  	s9 =	sadd.s32 $0x1100, s11  }
0xae: {  	[tilespmem:s28], [sflag:$0x2] =	stream.indirect.gather [hbm4b:s4+s12], $0x20, s9, s12, $0xb8;
	[tilespmem:$0x1A400] =	vst v63  }
0xaf: {  	s9 =	sadd.s32 $0x1180, s11  }
0xb0: {  	[tilespmem:s1], [sflag:$0x2] =	stream.indirect.gather [hbm4b:s4+s12], $0x20, s9, s12, $0xb8;
	[tilespmem:$0x1A400] =	vst v63  }
0xb1: {  	s9 =	sadd.s32 $0x1200, s11  }
0xb2: {  	[tilespmem:s17], [sflag:$0x2] =	stream.indirect.gather [hbm4b:s4+s12], $0x20, s9, s12, $0xb8;
	[tilespmem:$0x1A400] =	vst v63  }
0xb3: {  	s9 =	sadd.s32 $0x1280, s11  }
0xb4: {  	[tilespmem:s25], [sflag:$0x2] =	stream.indirect.gather [hbm4b:s4+s12], $0x20, s9, s12, $0xb8;
	[tilespmem:$0x1A400] =	vst v63  }
0xb5: {  	s9 =	sadd.s32 $0x1300, s11  }
0xb6: {  	[tilespmem:s2], [sflag:$0x2] =	stream.indirect.gather [hbm4b:s4+s12], $0x20, s9, s12, $0xb8;
	[tilespmem:$0x1A400] =	vst v63  }
0xb7: {  	s9 =	sadd.s32 $0x1380, s11  }
0xb8: {  	[tilespmem:s30], [sflag:$0x2] =	stream.indirect.gather [hbm4b:s4+s12], $0x20, s9, s12, $0xb8;
	[tilespmem:$0x1A400] =	vst v63  }
0xb9: {  	_ =	swait.ge [sflag:s21], $0xA000  }
0xba: {  	s9 =	rddreg [dreg:$0x4];
	[sflag:s21] =	ssyncset.done $0x0  }
0xbb: {  	[sflag:s21] =	ssyncadd.s32 $0xFFFF6000;
	s9 =	sadd.s32 s7, s9  }
0xbc: {  	[hbm4b:s9+s3] =	stream.linear.scatter [tilespmem:s13], [sflag:$0x3], $0xA000, $0x38;
	[tilespmem:$0x1A400] =	vst v63  }
0xbd: {  	_ =	swait.ge [sflag:s5], $0xA000  }
0xbe: {  	[sflag:s5] =	ssyncset.done $0x0  }
0xbf: {  	s9 =	sadd.s32 $0x1400, s11;
	[sflag:s5] =	ssyncadd.s32 $0xFFFF6000  }
0xc0: {  	[tilespmem:s13], [sflag:$0x1] =	stream.indirect.gather [hbm4b:s4+s12], $0x20, s9, s12, $0xb8;
	[tilespmem:$0x1A400] =	vst v63  }
0xc1: {  	s9 =	sadd.s32 $0x1480, s11  }
0xc2: {  	[tilespmem:s14], [sflag:$0x1] =	stream.indirect.gather [hbm4b:s4+s12], $0x20, s9, s12, $0xb8;
	[tilespmem:$0x1A400] =	vst v63  }
0xc3: {  	s9 =	sadd.s32 $0x1500, s11  }
0xc4: {  	[tilespmem:s16], [sflag:$0x1] =	stream.indirect.gather [hbm4b:s4+s12], $0x20, s9, s12, $0xb8;
	[tilespmem:$0x1A400] =	vst v63  }
0xc5: {  	s9 =	sadd.s32 $0x1580, s11  }
0xc6: {  	[tilespmem:s18], [sflag:$0x1] =	stream.indirect.gather [hbm4b:s4+s12], $0x20, s9, s12, $0xb8;
	[tilespmem:$0x1A400] =	vst v63  }
0xc7: {  	s9 =	sadd.s32 $0x1600, s11  }
0xc8: {  	[tilespmem:s20], [sflag:$0x1] =	stream.indirect.gather [hbm4b:s4+s12], $0x20, s9, s12, $0xb8;
	[tilespmem:$0x1A400] =	vst v63  }
0xc9: {  	s9 =	sadd.s32 $0x1680, s11  }
0xca: {  	[tilespmem:s22], [sflag:$0x1] =	stream.indirect.gather [hbm4b:s4+s12], $0x20, s9, s12, $0xb8;
	[tilespmem:$0x1A400] =	vst v63  }
0xcb: {  	s9 =	sadd.s32 $0x1700, s11  }
0xcc: {  	[tilespmem:s24], [sflag:$0x1] =	stream.indirect.gather [hbm4b:s4+s12], $0x20, s9, s12, $0xb8;
	[tilespmem:$0x1A400] =	vst v63  }
0xcd: {  	s9 =	sadd.s32 $0x1780, s11  }
0xce: {  	[tilespmem:s26], [sflag:$0x1] =	stream.indirect.gather [hbm4b:s4+s12], $0x20, s9, s12, $0xb8;
	[tilespmem:$0x1A400] =	vst v63  }
0xcf: {  	p1 =	sne.s32 s10, $0x11800;
	s9 =	sadd.s32 $0x1800, s11  }
0xd0: {  	[tilespmem:s29], [sflag:$0x1] =	stream.indirect.gather [hbm4b:s4+s12], $0x20, s9, s12, $0xb8;
	[tilespmem:$0x1A400] =	vst v63  }
.Ltmp2:
0xd1: {  	s11 =	sadd.s32 $0x1880, s11;
	(pc) =	sbr.rel @p1 .LBB2_2-.Ltmp2, $4  }
0xd2: {  	[tilespmem:s31], [sflag:$0x1] =	stream.indirect.gather [hbm4b:s4+s12], $0x20, s11, s12, $0xb8;
	[tilespmem:$0x1A400] =	vst v63  }
0xd3: {  	_ =	swait.ge [sflag:s6], $0xA000  }
0xd4: {  	[sflag:s6] =	ssyncset.done $0x0;
	s11 =	rddreg [dreg:$0x5]  }
0xd5: {  	s10 =	sadd.s32 $0x2800, s10;
	[sflag:s6] =	ssyncadd.s32 $0xFFFF6000;
	s7 =	sadd.s32 s7, s11  }
0xd6: {  	[hbm4b:s7+s3] =	stream.linear.scatter [tilespmem:s0], [sflag:$0x4], $0xA000, $0x38;
	[tilespmem:$0x1A400] =	vst v63  }
0xd7: {  	_ =	swait.ge [sflag:s8], $0xA000  }
0xd8: {  	[sflag:s8] =	ssyncset.done $0x0  }
0xd9: {  	s9 =	simm.s32 $0x5F00;
	[sflag:s8] =	ssyncadd.s32 $0xFFFF6000  }
0xda: {  	[tilespmem:s0], [sflag:$0x2] =	stream.indirect.gather [hbm4b:s4+s12], $0x20, s9, s12, $0xb8;
	[tilespmem:$0x1A400] =	vst v63  }
0xdb: {  	s10 =	simm.s32 $0x5F80  }
0xdc: {  	[tilespmem:s15], [sflag:$0x2] =	stream.indirect.gather [hbm4b:s4+s12], $0x20, s10, s12, $0xb8;
	[tilespmem:$0x1A400] =	vst v63  }
0xdd: {  	s11 =	simm.s32 $0x6000  }
0xde: {  	[tilespmem:s19], [sflag:$0x2] =	stream.indirect.gather [hbm4b:s4+s12], $0x20, s11, s12, $0xb8;
	[tilespmem:$0x1A400] =	vst v63  }
0xdf: {  	s9 =	simm.s32 $0x6080  }
0xe0: {  	[tilespmem:s23], [sflag:$0x2] =	stream.indirect.gather [hbm4b:s4+s12], $0x20, s9, s12, $0xb8;
	[tilespmem:$0x1A400] =	vst v63  }
0xe1: {  	s10 =	simm.s32 $0x6100  }
0xe2: {  	[tilespmem:s28], [sflag:$0x2] =	stream.indirect.gather [hbm4b:s4+s12], $0x20, s10, s12, $0xb8;
	[tilespmem:$0x1A400] =	vst v63  }
0xe3: {  	s11 =	simm.s32 $0x6180  }
0xe4: {  	[tilespmem:s1], [sflag:$0x2] =	stream.indirect.gather [hbm4b:s4+s12], $0x20, s11, s12, $0xb8;
	[tilespmem:$0x1A400] =	vst v63  }
0xe5: {  	s9 =	simm.s32 $0x6200  }
0xe6: {  	[tilespmem:s17], [sflag:$0x2] =	stream.indirect.gather [hbm4b:s4+s12], $0x20, s9, s12, $0xb8;
	[tilespmem:$0x1A400] =	vst v63  }
0xe7: {  	s10 =	simm.s32 $0x6280  }
0xe8: {  	[tilespmem:s25], [sflag:$0x2] =	stream.indirect.gather [hbm4b:s4+s12], $0x20, s10, s12, $0xb8;
	[tilespmem:$0x1A400] =	vst v63  }
0xe9: {  	s11 =	simm.s32 $0x6300  }
0xea: {  	[tilespmem:s2], [sflag:$0x2] =	stream.indirect.gather [hbm4b:s4+s12], $0x20, s11, s12, $0xb8;
	[tilespmem:$0x1A400] =	vst v63  }
0xeb: {  	s9 =	simm.s32 $0x6380  }
0xec: {  	[tilespmem:s30], [sflag:$0x2] =	stream.indirect.gather [hbm4b:s4+s12], $0x20, s9, s12, $0xb8;
	[tilespmem:$0x1A400] =	vst v63  }
0xed: {  	_ =	swait.ge [sflag:s21], $0xA000  }
0xee: {  	[sflag:s21] =	ssyncset.done $0x0  }
0xef: {  	s10 =	simm.s32 $0x0;
	s9 =	rddreg [dreg:$0xa];
	[sflag:s21] =	ssyncadd.s32 $0xFFFF6000  }
0xf0: {  	[hbm4b:s9+s10] =	stream.linear.scatter [tilespmem:s13], [sflag:$0x3], $0xA000, $0x38;
	[tilespmem:$0x1A400] =	vst v63  }
0xf1: {  	_ =	swait.ge [sflag:s6], $0xA000  }
0xf2: {  	[sflag:s6] =	ssyncset.done $0x0  }
0xf3: {  	s11 =	rddreg [dreg:$0xb];
	[sflag:s6] =	ssyncadd.s32 $0xFFFF6000  }
0xf4: {  	[hbm4b:s11+s10] =	stream.linear.scatter [tilespmem:s0], [sflag:$0x4], $0xA000, $0x38;
	[tilespmem:$0x1A400] =	vst v63  }
0xf5: {  	_ =	swait.ge [sflag:s5], $0xA000  }
.Ltmp3:
0xf6: {  	[sflag:s5] =	ssyncset.done $0x0;
	(pc) =	sbr.rel @p0 .LBB2_7-.Ltmp3, $4  }
0xf7: {  	[sflag:s5] =	ssyncadd.s32 $0xFFFF6000  }
0xf8: {  	_ =	swait.ge [sflag:s8], $0xA000  }
0xf9: {  	[sflag:s8] =	ssyncset.done $0x0  }
0xfa: {  	s9 =	rddreg [dreg:$0xc];
	[sflag:s8] =	ssyncadd.s32 $0xFFFF6000  }
0xfb: {  	s7 =	simm.s32 $0x80;
	s10 =	simm.s32 $0x0  }
.LBB2_5:
0xfc: {  	p1 =	sne.s32 s7, $0x6380;
	[tilespmem:s10+$0x6400] =	vst v0;
	s9 =	smov.u32 s7;
	s7 =	sadd.s32 $0x80, s7  }
.Ltmp4:
0xfd: {  	[tilespmem:s10+$0x6410] =	vst v0;
	(pc) =	sbr.rel @p1 .LBB2_5-.Ltmp4, $2  }
0xfe: {  	_ =	sdelay $0x2  }
0xff: {  	s10 =	sshra.s32 s9, $0x2  }
.Ltmp5:
0x100: {  	_ = 	snop;
	(pc) =	sbr.rel .LBB2_6-.Ltmp5, $1  }
0x101: {  	_ =	sdelay $0x3  }
.LBB2_8:
0x102: {  	_ =	sfence.sel $0x180000  }
0x103: {  	[bflag:$0x0] =	sbarrier.arrive $0xFFFF  }
0x104: {  	_ =	strace $0x90000047  }
0x105: {  	s0 =	stileid.u32;
	[bflag:$0x2] =	sbarrier.arrive $0xFFFF  }
0x106: {  	p0 =	sne.s32 s0, $0x0;
	s0 =	rddreg [dreg:$0x3]  }
0x107: {  	s0 =	sadd.s32 @!p0 $0x100000, s0  }
0x108: {  	[sflag:s0] =	ssyncadd.tile.s32 @!p0 $0x1;
	_ =	shalt  }
.Lfunc_end2:
_tile_overlayer_lowered:
.L_overlay_start_2:
0x109: {  	(tag) =	ssettag $0x2  }
0x10a: {  	s0 =	rddreg [dreg:$0x0];
	s2 =	stileid.u32  }
0x10b: {  	s1 =	rddreg [dreg:$0x1];
	p0 =	sne.s32 s2, $0x0  }
0x10c: {  	s3 =	rddreg [dreg:$0x2];
	[bflag:$0x3] =	sbarrier.arrive $0xFFFF;
	s2 =	simm.s32 @!p0 $0x1C05  }
0x10d: {  	[timem:s3], [sflag:s2] =	dma.local @!p0 [hbm:s0], s1  }
0x10e: {  	s0 =	simm.s32 @!p0 $0x5  }
0x10f: {  	_ =	swait.ge @!p0 [sflag:s0], s1  }
0x110: {  	s1 =	ssub.s32 @!p0 $0x0, s1;
	[sflag:s0] =	ssyncset.done @!p0 $0x0  }
0x111: {  	[sflag:s0] =	ssyncadd.s32 @!p0 s1  }
0x112: {  	[bflag:$0x3] =	sbarrier.arrive $0xFFFF  }
0x113: {  	_ =	shalt  }

// kernel: sparse-core-data-format-call.cloned.1.call-start
scs
called_computation_lowered:
.L_overlay_start_0:
0x0: {  	s2 =	sld [smem:$0x3FD9]  }
0x1: {  	s3 =	sld [smem:$0x3FFE];
	_ =	sdelay $0x1  }
0x2: {  	s1 =	srdreg.scid  }
0x3: {  	s0 =	sand.u32 $0x1, s1  }
0x4: {  	s18 =	sshll.u32 s0, $0xA;
	s2 =	sadd.s32 s3, s2  }
0x5: {  	s2 =	sadd.s32 s2, s18  }
0x6: {  	[smem:$0x3FC6] =	sst s2  }
0x7: {  	_ = 	snop  }
0x8: {  	s2 =	sld [smem:$0x3FD0];
	(tm) =	ssettm $0x1  }
0x9: {  	s19 =	sld [smem:$0x3FFB];
	_ =	sdelay $0x3  }
0xa: {  	_ =	strace s19  }
0xb: {  	s3 =	sld [smem:$0x3FFC];
	_ =	sdelay $0x3  }
0xc: {  	_ =	strace s3  }
0xd: {  	s3 =	sld [smem:$0x3FFD];
	_ =	sdelay $0x3  }
0xe: {  	_ =	strace s3  }
0xf: {  	_ =	strace $0x8FFFFFFF  }
0x10: {  	s20 =	sld [smem:$0x3FDB];
	_ =	sdelay $0x1  }
0x11: {  	s4 =	simm.s32 $_scs_section_size  }
0x12: {  	s5 =	simm.s32 $_size__tile_overlayer_lowered;
	s6 =	simm.s32 $_tile_overlayer_lowered  }
0x13: {  	s23 =	simm.s32 $0x1BFF;
	s22 =	sshll.u32 s6, $0x1;
	s3 =	sadd.s32 s4, s20  }
0x14: {  	s7 =	simm.s32 $0x0;
	s21 =	sshll.u32 s5, $0x1;
	s5 =	sadd.s32 s22, s3  }
0x15: {  	[timem:s7], [sflag:s23] =	dma.local [hbm:s5], s21  }
0x16: {  	_ =	swait.ge [sflag:s23], s21  }
0x17: {  	s4 =	ssub.s32 $0x0, s21;
	[sflag:s23] =	ssyncset.done $0x0  }
0x18: {  	[sflag:s23] =	ssyncadd.s32 s4;
	_ =	sdelay $0x1  }
0x19: {  	s24 =	simm.s32 $0x1B8B  }
0x1a: {  	_ =	swait.ge [sflag:s24], $0x1  }
0x1b: {  	[sflag:s24] =	ssyncset.done $0x0  }
0x1c: {  	s26 =	simm.s32 $0x1B8E;
	s25 =	sld [smem:$0x3FFE];
	[sflag:s24] =	ssyncadd.s32 $0xFFFFFFFF  }
0x1d: {  	s27 =	simm.s32 $execute0_lowered;
	[smem:$0x3FD2] =	sst s26  }
0x1e: {  	s5 =	sshll.u32 s27, $0x1;
	_ =	strace $0x80000049;
	[dreg:$0x1] =	wrdreg $0xFFFFFFFF  }
0x1f: {  	s28 =	simm.s32 $_size_execute0_lowered;
	s3 =	sadd.s32 s3, s5;
	[dreg:$0x0] =	wrdreg $0x0  }
0x20: {  	s5 =	sshll.u32 s28, $0x1;
	[dreg:$0x2] =	wrdreg s3  }
0x21: {  	[dreg:$0x3] =	wrdreg s5  }
0x22: {  	[dreg:$0x4] =	wrdreg $0xC0  }
0x23: {  	_ =	task [dreg:s7], $0x5FFFF  }
0x24: {  	[dreg:$0x1] =	wrdreg $0xFFFFFFFF  }
0x25: {  	[dreg:$0x0] =	wrdreg $0x60  }
0x26: {  	[dreg:$0x2] =	wrdreg s25  }
0x27: {  	[dreg:$0x3] =	wrdreg s2  }
0x28: {  	[dreg:$0x4] =	wrdreg $0x9  }
0x29: {  	_ =	task.clear_ibuf [dreg:s7], $0x5FFFF;
	_ =	strace $0x90000049  }
0x2a: {  	s29 =	simm.s32 $0x9;
	_ =	strace $0x8000004B  }
0x2b: {  	_ =	swait.ge [sflag:s29], $0x1  }
0x2c: {  	[sflag:s29] =	ssyncadd.s32 $0xFFFFFFFF  }
0x2d: {  	_ =	strace $0x9000004B  }
0x2e: {  	_ =	sfence  }
0x2f: {  	s30 =	sld [smem:$0x0];
	_ =	sdelay $0x2  }
0x30: {  	s31 =	sshll.u32 s1, $0xD;
	s1 =	sshrl.u32 s1, $0x2  }
0x31: {  	s3 =	sand.u32 $0x4000, s31;
	s1 =	sadd.s32 s1, s30  }
0x32: {  	s0 =	sor.u32 s3, s0;
	s1 =	sshll.u32 s1, $0x11  }
0x33: {  	s0 =	sor.u32 s1, s0  }
0x34: {  	s0 =	sadd.s32 $0x8F2B, s0  }
0x35: {  	[sflag:s0] =	ssyncadd.remote.s32 $0x1  }
0x36: {  	_ =	sfence.sel $0xFFFF  }
0x37: {  	[dreg:$0x0] =	wrdreg $0xFFFFFFFF;
	(pc) =	sbr.abs _section_cstart, $3  }
0x38: {  	[dreg:$0x1] =	wrdreg $0xFFFFFFFF  }
0x39: {  	_ =	task.clear_ibuf [dreg:s7], $0x2FFFF;
	_ =	strace $0x9FFFFFFF  }
0x3a: {  	(tm) =	ssettm $0x7FFFFFFF  }
0x3b: {  	_ =	shalt  }
tec
execute0_lowered:
.L_overlay_start_1:
0x0: {  	(tag) =	ssettag $0x1  }
0x1: {  	s0 =	srdreg.scid  }
0x2: {  	s1 =	sshll.u32 s0, $0x4  }
0x3: {  	s4 =	rddreg [dreg:$0x0];
	s0 =	stileid.u32;
	s1 =	sand.u32 $0x10, s1  }
0x4: {  	s2 =	rddreg [dreg:$0x1];
	s7 =	simm.s32 $0x1;
	s1 =	sor.u32 s0, s1  }
0x5: {  	s8 =	simm.s32 $0x2;
	s11 =	simm.s32 $0x0;
	s3 =	sshll.u32 s1, $0x7  }
0x6: {  	s10 =	simm.s32 $0x0;
	s4 =	sadd.s32 $0x800, s4;
	s6 =	ssub.s32 $0xC8000, s3  }
.Ltmp0:
0x7: {  	s1 =	rddreg [dreg:$0x2];
	s5 =	sand.u32 $0xF80, s6;
	(pc) =	sbr.rel .LBB1_1-.Ltmp0, $4  }
0x8: {  	_ =	strace $0x8000004A;
	s9 =	smov.u32 s3;
	p0 =	sne.s32 s5, $0x0  }
0x9: {  	s6 =	sshrl.u32 s6, $0xC;
	s5 =	simm.s32 $0x1;
	s7 =	simm.s32 @!p0 $0x0  }
0xa: {  	[sflag:s5] =	ssyncpa.u1 $0x0;
	p0 =	por $0x0, $0x0;
	s6 =	sadd.s32 s7, s6  }
0xb: {  	[sflag:s8] =	ssyncpa.u1 $0x0;
	s8 =	simm.s32 $0x640000;
	s7 =	sadd.s32 $0x1, s6  }
.LBB1_4:
0xc: {  	s14 =	sshll.u32 s11, $0x3  }
0xd: {  	s30 =	sand.u32 $0x7F, s11;
	s15 =	sand.u32 $0xFFFFFC00, s14  }
0xe: {  	s11 =	sor.u32 s30, s15  }
0xf: {  	s15 =	smulhi.u32 $0x51EB851F, s11  }
0x10: {  	s14 =	smulhi.u32 $0x51EB851F, s14  }
0x11: {  	s15 =	sshrl.u32 s15, $0x12  }
0x12: {  	s14 =	sshrl.u32 s14, $0x12;
	s15 =	smul.u32 $0xC8000, s15  }
0x13: {  	s14 =	sand.u32 $0x1F, s14  }
0x14: {  	s14 =	smul.u32 $0x19000, s14;
	s11 =	ssub.s32 s11, s15  }
0x15: {  	s15 =	sand.u32 $0x7, s11  }
0x16: {  	s14 =	sadd.s32 s2, s14;
	s11 =	sshrl.u32 s11, $0x3;
	s15 =	sshll.u32 s15, $0x12  }
0x17: {  	[tilespmem:s13+$0x0 ss:$0x81] =	vst.msk $0xffff, v0;
	s11 =	sadd.s32 s11, s14;
	s31 =	sor.u32 $0x400, s15  }
0x18: {  	[hbm4b:s11+s31] =	stream.strided.scatter [tilespmem:s12], [sflag:$0x2], $0x1000, s8, s31, $0x20;
	[tilespmem:$0x4040] =	vst v63  }
.LBB1_5:
0x19: {  	s13 =	sadd.s32 $0x1000, s9  }
0x1a: {  	p2 =	sgt.s32 s13, $0xC7FFF  }
0x1b: {  	s13 =	smov.u32 @p2 s3;
	p2 =	sne.s32 s10, s7  }
.Ltmp1:
0x1c: {  	p1 =	slt.u32 s10, $0x2;
	(pc) =	sbr.rel @!p2 .LBB1_6-.Ltmp1, $4  }
0x1d: {  	s12 =	simm.s32 @!p1 $0x2  }
0x1e: {  	s14 =	sadd.s32 $0x1, s10;
	_ =	swait.ge @!p1 [sflag:s12], $0x1000  }
0x1f: {  	s11 =	smov.u32 s9;
	p0 =	por !p0, !p0;
	[sflag:s12] =	ssyncset.done @!p1 $0x0  }
0x20: {  	s10 =	smov.u32 s14;
	s9 =	smov.u32 s13;
	[sflag:s12] =	ssyncadd.s32 @!p1 $0xFFFFF000  }
.LBB1_1:
0x21: {  	p1 =	sge.u32 s10, s6  }
0x22: {  	s12 =	sand.u32 @!p1 $0x1FFFFFF, s9  }
0x23: {  	s13 =	smulhi.u32 @!p1 $0x147AE15, s12;
	_ =	sdelay $0x1  }
0x24: {  	s13 =	sshrl.u32 @!p1 s13, $0xC  }
0x25: {  	s13 =	smul.u32 @!p1 $0xC8000, s13;
	_ =	sdelay $0x1  }
0x26: {  	s31 =	sadd.s32 $0xFFFFFFFF, s10;
	s14 =	sxor.u32 @!p1 $0xFFFFFFFF, s10;
	s12 =	ssub.s32 @!p1 s12, s13  }
0x27: {  	s15 =	simm.s32 @!p1 $0x80;
	s14 =	sshll.u32 @!p1 s14, $0xC;
	s12 =	sshll.u32 @!p1 s12, $0x4  }
0x28: {  	s13 =	sand.u32 @!p1 $0x1000, s14;
	s14 =	simm.s32 @!p1 $0x20;
	s12 =	sadd.s32 @!p1 s4, s12  }
0x29: {  	[tilespmem:s13], [sflag:$0x1] =	stream.strided.gather @!p1 [hbm4b:s12+s14], $0x1000, s15, s14, $0x38;
	[tilespmem:$0x4040] =	vst v63  }
0x2a: {  	p1 =	sge.u32 s31, s6  }
.Ltmp2:
0x2b: {  	_ = 	snop;
	(pc) =	sbr.rel @p1 .LBB1_5-.Ltmp2, $1  }
0x2c: {  	_ =	sdelay $0x3  }
0x2d: {  	s12 =	simm.s32 $0x1  }
0x2e: {  	_ =	swait.ge [sflag:s5], $0x1000;
	s12 =	simm.s32 @!p0 $0x0  }
0x2f: {  	[sflag:s5] =	ssyncset.done $0x0;
	s13 =	sshll.u32 s12, $0xC  }
0x30: {  	[sflag:s5] =	ssyncadd.s32 $0xFFFFF000;
	s16 =	sor.u32 $0x10, s13  }
0x31: {  	s12 =	smul.u32 $0x4080, s12;
	v1 =	vld [tilespmem:s16+$0x0]  }
0x32: {  	s30 =	sand.u32 $0x1, s10;
	v0 =	vld [tilespmem:s16+$0xFFFFFFF0]  }
0x33: {  	s13 =	smul.u32 $0x4080, s30;
	s12 =	sshrl.u32 s12, $0x2  }
0x34: {  	s14 =	sor.u32 $0x2000, s12  }
0x35: {  	s31 =	sshrl.u32 s13, $0x2;
	s13 =	sadd.s32 $0x0, s14  }
0x36: {  	s15 =	simm.s32 $0x4;
	s16 =	sadd.s32 $0x20, s16;
	s12 =	sor.u32 $0x2000, s31;
	[tilespmem:s13+$0x810 ss:$0x81] =	vst.msk $0xffff, v1  }
.LBB1_3:
0x37: {  	v1 =	vld [tilespmem:s16+$0x0];
	p1 =	sne.s32 s15, $0x1FC;
	[tilespmem:s13+$0x0 ss:$0x81] =	vst.msk $0xffff, v0;
	s13 =	smov.u32 s15;
	s15 =	sadd.s32 $0x4, s15  }
.Ltmp3:
0x38: {  	v0 =	vld [tilespmem:s16+$0xFFFFFFF0];
	(pc) =	sbr.rel @p1 .LBB1_3-.Ltmp3, $4  }
0x39: {  	_ = 	snop  }
0x3a: {  	s13 =	sshra.s32 s13, $0x2  }
0x3b: {  	s13 =	sadd.s32 s13, s14  }
0x3c: {  	s16 =	sadd.s32 $0x20, s16;
	[tilespmem:s13+$0x810 ss:$0x81] =	vst.msk $0xffff, v1  }
.Ltmp4:
0x3d: {  	_ = 	snop;
	(pc) =	sbr.rel .LBB1_4-.Ltmp4, $1  }
0x3e: {  	_ =	sdelay $0x3  }
.LBB1_6:
0x3f: {  	_ =	sfence.sel $0x180000  }
0x40: {  	s2 =	simm.s32 $0x1;
	[bflag:$0x0] =	sbarrier.arrive $0xFFFF  }
0x41: {  	s31 =	simm.s32 $0x2;
	[sflag:s2] =	ssyncpa.u1 $0x1  }
0x42: {  	[sflag:s31] =	ssyncpa.u1 $0x1  }
0x43: {  	p0 =	sne.s32 s0, $0x0;
	_ =	strace $0x9000004A  }
0x44: {  	s0 =	sadd.s32 @!p0 $0x100000, s1;
	[bflag:$0x2] =	sbarrier.arrive $0xFFFF  }
0x45: {  	[sflag:s0] =	ssyncadd.tile.s32 @!p0 $0x1;
	_ =	shalt  }
.Lfunc_end1:
_tile_overlayer_lowered:
.L_overlay_start_2:
0x46: {  	(tag) =	ssettag $0x2  }
0x47: {  	s0 =	rddreg [dreg:$0x0];
	s2 =	stileid.u32  }
0x48: {  	s1 =	rddreg [dreg:$0x1];
	p0 =	sne.s32 s2, $0x0  }
0x49: {  	s3 =	rddreg [dreg:$0x2];
	[bflag:$0x3] =	sbarrier.arrive $0xFFFF;
	s2 =	simm.s32 @!p0 $0x1C01  }
0x4a: {  	[timem:s3], [sflag:s2] =	dma.local @!p0 [hbm:s0], s1  }
0x4b: {  	s0 =	simm.s32 @!p0 $0x1  }
0x4c: {  	_ =	swait.ge @!p0 [sflag:s0], s1  }
0x4d: {  	s1 =	ssub.s32 @!p0 $0x0, s1;
	[sflag:s0] =	ssyncset.done @!p0 $0x0  }
0x4e: {  	[sflag:s0] =	ssyncadd.s32 @!p0 s1  }
0x4f: {  	[bflag:$0x3] =	sbarrier.arrive $0xFFFF  }
0x50: {  	_ =	shalt  }

</sc_bundles>
